<compile_context>
chip_gen: v7x
topology: tpu7x:2x2x1
jax: 0.10.2.dev20260603
libtpu: 0.0.44.dev20260713+nightly
codegen_flags: <defaults>
</compile_context>

<pallas_src>
import functools

import jax
import jax.numpy as jnp
from jax import lax
from jax.experimental import pallas as pl
from jax.experimental.pallas import tpu as pltpu
from jax.experimental.pallas import tpu_sc as plsc

F = 100000
C = 128
E = 3 * F
FP = 102400
NW = 32
CH = 128
EP = 311296
BPW = EP // NW
NCH = BPW // CH
NBUF = 4
BF = 2000


def _edge_val_dest(faces):
    e = jnp.concatenate([faces[:, [0, 1]], faces[:, [1, 2]], faces[:, [2, 0]]],
                        axis=0)
    lo = jnp.minimum(e[:, 0], e[:, 1]).astype(jnp.uint32)
    hi = jnp.maximum(e[:, 0], e[:, 1]).astype(jnp.uint32)
    key = (lo << 16) | hi
    idx = jnp.arange(E, dtype=jnp.int32)
    dest_e = (idx // F) * FP + (idx % F)
    sorted_key, dest = lax.sort((key, dest_e), num_keys=2, is_stable=False)
    match = sorted_key[:-1] == sorted_key[1:]
    has_pred = jnp.concatenate([jnp.zeros((1,), jnp.bool_), match])
    has_succ = jnp.concatenate([match, jnp.zeros((1,), jnp.bool_)])
    face = dest % FP
    fprev = jnp.concatenate([face[:1], face[:-1]])
    fnext = jnp.concatenate([face[1:], face[-1:]])
    val = jnp.where(has_pred, fprev, jnp.where(has_succ, fnext, face))
    npad = EP - E
    j = jnp.arange(npad, dtype=jnp.int32)
    val_pad = (j * 37) % F
    dest_pad = 2 * FP + F + (j % (FP - F))
    return (jnp.concatenate([val, val_pad]),
            jnp.concatenate([dest, dest_pad]))


def _sc_gather_scatter(ff, val, dest):
    mesh = plsc.VectorSubcoreMesh(core_axis_name="c", subcore_axis_name="s")

    @functools.partial(
        pl.kernel, mesh=mesh,
        out_type=jax.ShapeDtypeStruct((3 * FP, C), jnp.float32),
        scratch_types=[
            pltpu.VMEM((NCH, CH), jnp.int32),
            pltpu.VMEM((NCH, CH), jnp.int32),
            pltpu.VMEM((NBUF, CH, C), jnp.float32),
            pltpu.SemaphoreType.DMA,
            pltpu.SemaphoreType.DMA,
            pltpu.SemaphoreType.DMA,
            pltpu.SemaphoreType.DMA,
            pltpu.SemaphoreType.DMA,
            pltpu.SemaphoreType.DMA,
            pltpu.SemaphoreType.DMA,
            pltpu.SemaphoreType.DMA,
        ],
    )
    def gs_kernel(ff_hbm, val_hbm, dest_hbm, out_hbm, val_v, dest_v, rows_v,
                  g0, g1, g2, g3, s0, s1, s2, s3):
        wid = lax.axis_index("s") * 2 + lax.axis_index("c")
        sem_g = (g0, g1, g2, g3)
        sem_s = (s0, s1, s2, s3)

        pltpu.sync_copy(val_hbm.at[wid], val_v)
        pltpu.sync_copy(dest_hbm.at[wid], dest_v)

        def gath(c, b):
            return pltpu.make_async_copy(
                ff_hbm.at[val_v.at[c]], rows_v.at[b], sem_g[b])

        def scat(c, b):
            return pltpu.make_async_copy(
                rows_v.at[b], out_hbm.at[dest_v.at[c]], sem_s[b])

        for c0 in range(NBUF - 1):
            gath(c0, c0).start()

        def body(t4, carry):
            for b in range(NBUF):
                c = NBUF * t4 + b
                bp = (b + NBUF - 1) % NBUF
                gath(c, b).wait()

                @pl.when(c >= 1)
                def _():
                    scat(c - 1, bp).wait()

                scat(c, b).start()

                @pl.when(c + NBUF - 1 < NCH)
                def _():
                    gath(c + NBUF - 1, bp).start()
            return carry

        lax.fori_loop(0, NCH // NBUF, body, 0)
        scat(NCH - 1, (NCH - 1) % NBUF).wait()

    return gs_kernel(ff, val, dest)


def _tc_mix(ff, nbr, wt, b2):
    def body(x_ref, n_ref, w_ref, b_ref, o_ref):
        y = x_ref[...]
        n0 = n_ref[0]
        n1 = n_ref[1]
        n2 = n_ref[2]
        f1 = n0 + n1 + n2
        f2 = jnp.abs(n2 - n0) + jnp.abs(n0 - n1) + jnp.abs(n1 - n2)
        f3 = jnp.abs(y - n0) + jnp.abs(y - n1) + jnp.abs(y - n2)
        acc = jnp.dot(y, w_ref[0:C, :], preferred_element_type=jnp.float32)
        acc += jnp.dot(f1, w_ref[C:2 * C, :], preferred_element_type=jnp.float32)
        acc += jnp.dot(f2, w_ref[2 * C:3 * C, :], preferred_element_type=jnp.float32)
        acc += jnp.dot(f3, w_ref[3 * C:4 * C, :], preferred_element_type=jnp.float32)
        o_ref[...] = acc + b_ref[...]

    return pl.pallas_call(
        body,
        grid=(F // BF,),
        in_specs=[
            pl.BlockSpec((BF, C), lambda i: (i, 0)),
            pl.BlockSpec((3, BF, C), lambda i: (0, i, 0)),
            pl.BlockSpec((4 * C, C), lambda i: (0, 0)),
            pl.BlockSpec((1, C), lambda i: (0, 0)),
        ],
        out_specs=pl.BlockSpec((BF, C), lambda i: (i, 0)),
        out_shape=jax.ShapeDtypeStruct((F, C), jnp.float32),
    )(ff, nbr, wt, b2)


def kernel(faces, face_features, W, b):
    val, dest = _edge_val_dest(faces)
    val = val.reshape(NW, NCH, CH)
    dest = dest.reshape(NW, NCH, CH)
    nbr = _sc_gather_scatter(face_features, val, dest).reshape(3, FP, C)
    wt = jnp.transpose(W[:, :, 0, :], (2, 1, 0)).reshape(4 * C, C)
    out = _tc_mix(face_features, nbr, wt, b[None, :])
    return out

# --- scband reference (transcript-rebuilt; emitter-appended) ---
"""Pipeline reference for scband-face-conv-6528350290203 (READ-ONLY COPY).

The authoritative reference and input builder live on the scoring server;
editing this copy changes nothing except your own understanding.
"""

import jax, jax.numpy as jnp
import numpy as np


def compute_face_adjacency(faces):
    # SubdivNet-style face adjacency: for each face, the 3 faces sharing an edge.
    # Faces with unmatched edges default to self-loop.
    F = faces.shape[0]
    e = jnp.concatenate([faces[:, [0, 1]], faces[:, [1, 2]], faces[:, [2, 0]]], axis=0)
    e = jnp.sort(e, axis=1)
    idx = jnp.arange(3 * F)
    order = jnp.lexsort((idx, e[:, 1], e[:, 0]))
    se0 = e[order, 0]
    se1 = e[order, 1]
    match = (se0[:-1] == se0[1:]) & (se1[:-1] == se1[1:])
    a = order[:-1]
    b = order[1:]
    face_ids = jnp.tile(jnp.arange(F, dtype=jnp.int32), 3)
    slot_ids = jnp.repeat(jnp.arange(3, dtype=jnp.int32), F)
    CKP = jnp.tile(jnp.arange(F, dtype=jnp.int32)[:, None], (1, 3))
    fa = face_ids[a]
    sa = slot_ids[a]
    fb = face_ids[b]
    sb = slot_ids[b]
    row_a = jnp.where(match, fa, F)
    CKP = CKP.at[row_a, sa].set(fb, mode='drop')
    row_b = jnp.where(match, fb, F)
    CKP = CKP.at[row_b, sb].set(fa, mode='drop')
    return CKP


def setup_inputs(seed: int = 0) -> dict:
    key = jax.random.key(seed)
    k1, k2, k3, k4 = jax.random.split(key, 4)
    F = 100000
    C_in = 128
    C_out = 128
    n_vert = 50000
    faces = jax.random.randint(k1, (F, 3), 0, n_vert, dtype=jnp.int32)
    face_features = jax.random.normal(k2, (F, C_in), dtype=jnp.float32)
    W = jax.random.normal(k3, (C_out, C_in, 1, 4), dtype=jnp.float32) * 0.05
    b = jax.random.normal(k4, (C_out,), dtype=jnp.float32) * 0.05
    return {"faces": faces, "face_features": face_features, "W": W, "b": b}


def reference(faces, face_features, W, b):
    CKP = compute_face_adjacency(faces)
    num_neighbors = CKP.shape[1]
    # face_features[CKP]: [F, 3, C] -> permute(2,0,1) -> [C, F, 3]
    conv_feats = jnp.transpose(face_features[CKP], (2, 0, 1))
    y0 = face_features.T  # [C, F]
    perm = [num_neighbors - 1] + list(range(num_neighbors - 1))
    f0 = y0
    f1 = conv_feats.sum(axis=-1)
    f2 = jnp.abs(conv_feats[..., perm] - conv_feats).sum(axis=-1)
    f3 = jnp.abs(y0[..., None] - conv_feats).sum(axis=-1)
    features = jnp.stack([f0, f1, f2, f3], axis=-1)  # [C, F, 4]
    # Conv2d(in,out,(1,4)) on [1,C,F,4] == einsum over in-channels and kernel taps
    out = jnp.einsum('cfk,ock->fo', features, W[:, :, 0, :]) + b[None, :]
    return out  # [F, out_channels]

if __name__ == "__main__":
    import jax
    _d = setup_inputs()
    print(jax.jit(kernel)(*tuple(_d.values())))

</pallas_src>

<mosaic_0001>
#map = affine_map<(d0, d1) -> (0, 0)>
#map1 = affine_map<(d0, d1) -> (0, 0, 0)>
module attributes {stable_mosaic.version = 14 : i64} {
  func.func @gs_kernel(%arg0: i32, %arg1: i32, %arg2: memref<100000x128xf32, #tpu.memory_space<hbm>>, %arg3: memref<32x76x128xi32, #tpu.memory_space<hbm>>, %arg4: memref<32x76x128xi32, #tpu.memory_space<hbm>>, %arg5: memref<307200x128xf32, #tpu.memory_space<hbm>>, %arg6: memref<76x128xi32, #tpu.memory_space<vmem>>, %arg7: memref<76x128xi32, #tpu.memory_space<vmem>>, %arg8: memref<4x128x128xf32, #tpu.memory_space<vmem>>, %arg9: memref<!tpu.dma_semaphore, #tpu.memory_space<semaphore_mem>>, %arg10: memref<!tpu.dma_semaphore, #tpu.memory_space<semaphore_mem>>, %arg11: memref<!tpu.dma_semaphore, #tpu.memory_space<semaphore_mem>>, %arg12: memref<!tpu.dma_semaphore, #tpu.memory_space<semaphore_mem>>, %arg13: memref<!tpu.dma_semaphore, #tpu.memory_space<semaphore_mem>>, %arg14: memref<!tpu.dma_semaphore, #tpu.memory_space<semaphore_mem>>, %arg15: memref<!tpu.dma_semaphore, #tpu.memory_space<semaphore_mem>>, %arg16: memref<!tpu.dma_semaphore, #tpu.memory_space<semaphore_mem>>) attributes {dimension_semantics = [#tpu.dimension_semantics<core_parallel>, #tpu.dimension_semantics<subcore_parallel>], iteration_bounds = array<i64: 2, 16>, scalar_prefetch = 0 : i64, scratch_operands = 11 : i64, tpu.core_type = #tpu.core_type<sc_vector_subcore>, window_params = [{transform_indices = #map}, {transform_indices = #map1}, {transform_indices = #map1}, {transform_indices = #map}]} {
    %mul3A = arith.constant 2 : i32
    %mul3A_0 = arith.muli %arg1, %mul3A : i32
    %add3A = arith.addi %mul3A_0, %arg0 : i32
    "tpu.region"() ({
      %run_scoped3A = tpu.sem_alloc : memref<!tpu.dma_semaphore, #tpu.memory_space<semaphore_mem>>
      %dma_start3A_52 = arith.constant 0 : i32
      %dma_start3A_53 = arith.constant 0 : i32
      %dma_start3A_54 = tpu.memref_slice %arg3[%add3A, %dma_start3A_52, %dma_start3A_53] : memref<32x76x128xi32, #tpu.memory_space<hbm>> -> memref<1x76x128xi32, #tpu.memory_space<hbm>>
      %dma_start3A_55 = tpu.memref_squeeze %dma_start3A_54 : memref<1x76x128xi32, #tpu.memory_space<hbm>> -> memref<76x128xi32, #tpu.memory_space<hbm>>
      %dma_start3A_56 = arith.constant 0 : i32
      %dma_start3A_57 = arith.constant 0 : i32
      %dma_start3A_58 = tpu.memref_slice %arg3[%add3A, %dma_start3A_56, %dma_start3A_57] : memref<32x76x128xi32, #tpu.memory_space<hbm>> -> memref<1x76x128xi32, #tpu.memory_space<hbm>>
      %dma_start3A_59 = tpu.memref_squeeze %dma_start3A_58 : memref<1x76x128xi32, #tpu.memory_space<hbm>> -> memref<76x128xi32, #tpu.memory_space<hbm>>
      tpu.enqueue_dma source(%dma_start3A_59 : memref<76x128xi32, #tpu.memory_space<hbm>>) target(%arg6 : memref<76x128xi32, #tpu.memory_space<vmem>>) target_semaphore(%run_scoped3A : memref<!tpu.dma_semaphore, #tpu.memory_space<semaphore_mem>>)
      %dma_wait3A_60 = arith.constant 0 : i32
      %dma_wait3A_61 = arith.constant 0 : i32
      %dma_wait3A_62 = tpu.memref_slice %arg3[%add3A, %dma_wait3A_60, %dma_wait3A_61] : memref<32x76x128xi32, #tpu.memory_space<hbm>> -> memref<1x76x128xi32, #tpu.memory_space<hbm>>
      %dma_wait3A_63 = tpu.memref_squeeze %dma_wait3A_62 : memref<1x76x128xi32, #tpu.memory_space<hbm>> -> memref<76x128xi32, #tpu.memory_space<hbm>>
      %dma_wait3A_64 = arith.constant 0 : i32
      %dma_wait3A_65 = arith.constant 0 : i32
      %dma_wait3A_66 = tpu.memref_slice %arg3[%add3A, %dma_wait3A_64, %dma_wait3A_65] : memref<32x76x128xi32, #tpu.memory_space<hbm>> -> memref<1x76x128xi32, #tpu.memory_space<hbm>>
      %dma_wait3A_67 = tpu.memref_squeeze %dma_wait3A_66 : memref<1x76x128xi32, #tpu.memory_space<hbm>> -> memref<76x128xi32, #tpu.memory_space<hbm>>
      tpu.wait_dma2 semaphore(%run_scoped3A : memref<!tpu.dma_semaphore, #tpu.memory_space<semaphore_mem>>) src(%dma_wait3A_67 : memref<76x128xi32, #tpu.memory_space<hbm>>) dst(%arg6 : memref<76x128xi32, #tpu.memory_space<vmem>>)
      tpu.yield
    }) : () -> ()
    "tpu.region"() ({
      %run_scoped3A = tpu.sem_alloc : memref<!tpu.dma_semaphore, #tpu.memory_space<semaphore_mem>>
      %dma_start3A_52 = arith.constant 0 : i32
      %dma_start3A_53 = arith.constant 0 : i32
      %dma_start3A_54 = tpu.memref_slice %arg4[%add3A, %dma_start3A_52, %dma_start3A_53] : memref<32x76x128xi32, #tpu.memory_space<hbm>> -> memref<1x76x128xi32, #tpu.memory_space<hbm>>
      %dma_start3A_55 = tpu.memref_squeeze %dma_start3A_54 : memref<1x76x128xi32, #tpu.memory_space<hbm>> -> memref<76x128xi32, #tpu.memory_space<hbm>>
      %dma_start3A_56 = arith.constant 0 : i32
      %dma_start3A_57 = arith.constant 0 : i32
      %dma_start3A_58 = tpu.memref_slice %arg4[%add3A, %dma_start3A_56, %dma_start3A_57] : memref<32x76x128xi32, #tpu.memory_space<hbm>> -> memref<1x76x128xi32, #tpu.memory_space<hbm>>
      %dma_start3A_59 = tpu.memref_squeeze %dma_start3A_58 : memref<1x76x128xi32, #tpu.memory_space<hbm>> -> memref<76x128xi32, #tpu.memory_space<hbm>>
      tpu.enqueue_dma source(%dma_start3A_59 : memref<76x128xi32, #tpu.memory_space<hbm>>) target(%arg7 : memref<76x128xi32, #tpu.memory_space<vmem>>) target_semaphore(%run_scoped3A : memref<!tpu.dma_semaphore, #tpu.memory_space<semaphore_mem>>)
      %dma_wait3A_60 = arith.constant 0 : i32
      %dma_wait3A_61 = arith.constant 0 : i32
      %dma_wait3A_62 = tpu.memref_slice %arg4[%add3A, %dma_wait3A_60, %dma_wait3A_61] : memref<32x76x128xi32, #tpu.memory_space<hbm>> -> memref<1x76x128xi32, #tpu.memory_space<hbm>>
      %dma_wait3A_63 = tpu.memref_squeeze %dma_wait3A_62 : memref<1x76x128xi32, #tpu.memory_space<hbm>> -> memref<76x128xi32, #tpu.memory_space<hbm>>
      %dma_wait3A_64 = arith.constant 0 : i32
      %dma_wait3A_65 = arith.constant 0 : i32
      %dma_wait3A_66 = tpu.memref_slice %arg4[%add3A, %dma_wait3A_64, %dma_wait3A_65] : memref<32x76x128xi32, #tpu.memory_space<hbm>> -> memref<1x76x128xi32, #tpu.memory_space<hbm>>
      %dma_wait3A_67 = tpu.memref_squeeze %dma_wait3A_66 : memref<1x76x128xi32, #tpu.memory_space<hbm>> -> memref<76x128xi32, #tpu.memory_space<hbm>>
      tpu.wait_dma2 semaphore(%run_scoped3A : memref<!tpu.dma_semaphore, #tpu.memory_space<semaphore_mem>>) src(%dma_wait3A_67 : memref<76x128xi32, #tpu.memory_space<hbm>>) dst(%arg7 : memref<76x128xi32, #tpu.memory_space<vmem>>)
      tpu.yield
    }) : () -> ()
    %dma_start3A = arith.constant 0 : i32
    %dma_start3A_1 = arith.constant 0 : i32
    %dma_start3A_2 = arith.constant 0 : i32
    %dma_start3A_3 = arith.constant 0 : i32
    %dma_start3A_4 = tpu.memref_slice %arg8[%dma_start3A_1, %dma_start3A_2, %dma_start3A_3] : memref<4x128x128xf32, #tpu.memory_space<vmem>> -> memref<1x128x128xf32, #tpu.memory_space<vmem>>
    %dma_start3A_5 = tpu.memref_squeeze %dma_start3A_4 : memref<1x128x128xf32, #tpu.memory_space<vmem>> -> memref<128x128xf32, #tpu.memory_space<vmem>>
    %dma_start3A_6 = arith.constant 0 : i32
    %dma_start3A_7 = tpu.memref_slice %arg6[%dma_start3A, %dma_start3A_6] : memref<76x128xi32, #tpu.memory_space<vmem>> -> memref<1x128xi32, #tpu.memory_space<vmem>>
    %dma_start3A_8 = tpu.memref_squeeze %dma_start3A_7 : memref<1x128xi32, #tpu.memory_space<vmem>> -> memref<128xi32, #tpu.memory_space<vmem>>
    %dma_start3A_9 = arith.constant 0 : i32
    %dma_start3A_10 = arith.constant 0 : i32
    %dma_start3A_11 = tpu.memref_slice %arg2[%dma_start3A_9, %dma_start3A_10] : memref<100000x128xf32, #tpu.memory_space<hbm>> -> memref<100000x128xf32, #tpu.memory_space<hbm>>
    tpu.enqueue_indirect_dma source(%dma_start3A_11 : memref<100000x128xf32, #tpu.memory_space<hbm>>) target(%dma_start3A_5 : memref<128x128xf32, #tpu.memory_space<vmem>>) offsets(%dma_start3A_8 : memref<128xi32, #tpu.memory_space<vmem>>) semaphore(%arg9 : memref<!tpu.dma_semaphore, #tpu.memory_space<semaphore_mem>>)
    %dma_start3A_12 = arith.constant 1 : i32
    %dma_start3A_13 = arith.constant 1 : i32
    %dma_start3A_14 = arith.constant 0 : i32
    %dma_start3A_15 = arith.constant 0 : i32
    %dma_start3A_16 = tpu.memref_slice %arg8[%dma_start3A_13, %dma_start3A_14, %dma_start3A_15] : memref<4x128x128xf32, #tpu.memory_space<vmem>> -> memref<1x128x128xf32, #tpu.memory_space<vmem>>
    %dma_start3A_17 = tpu.memref_squeeze %dma_start3A_16 : memref<1x128x128xf32, #tpu.memory_space<vmem>> -> memref<128x128xf32, #tpu.memory_space<vmem>>
    %dma_start3A_18 = arith.constant 0 : i32
    %dma_start3A_19 = tpu.memref_slice %arg6[%dma_start3A_12, %dma_start3A_18] : memref<76x128xi32, #tpu.memory_space<vmem>> -> memref<1x128xi32, #tpu.memory_space<vmem>>
    %dma_start3A_20 = tpu.memref_squeeze %dma_start3A_19 : memref<1x128xi32, #tpu.memory_space<vmem>> -> memref<128xi32, #tpu.memory_space<vmem>>
    %dma_start3A_21 = arith.constant 0 : i32
    %dma_start3A_22 = arith.constant 0 : i32
    %dma_start3A_23 = tpu.memref_slice %arg2[%dma_start3A_21, %dma_start3A_22] : memref<100000x128xf32, #tpu.memory_space<hbm>> -> memref<100000x128xf32, #tpu.memory_space<hbm>>
    tpu.enqueue_indirect_dma source(%dma_start3A_23 : memref<100000x128xf32, #tpu.memory_space<hbm>>) target(%dma_start3A_17 : memref<128x128xf32, #tpu.memory_space<vmem>>) offsets(%dma_start3A_20 : memref<128xi32, #tpu.memory_space<vmem>>) semaphore(%arg10 : memref<!tpu.dma_semaphore, #tpu.memory_space<semaphore_mem>>)
    %dma_start3A_24 = arith.constant 2 : i32
    %dma_start3A_25 = arith.constant 2 : i32
    %dma_start3A_26 = arith.constant 0 : i32
    %dma_start3A_27 = arith.constant 0 : i32
    %dma_start3A_28 = tpu.memref_slice %arg8[%dma_start3A_25, %dma_start3A_26, %dma_start3A_27] : memref<4x128x128xf32, #tpu.memory_space<vmem>> -> memref<1x128x128xf32, #tpu.memory_space<vmem>>
    %dma_start3A_29 = tpu.memref_squeeze %dma_start3A_28 : memref<1x128x128xf32, #tpu.memory_space<vmem>> -> memref<128x128xf32, #tpu.memory_space<vmem>>
    %dma_start3A_30 = arith.constant 0 : i32
    %dma_start3A_31 = tpu.memref_slice %arg6[%dma_start3A_24, %dma_start3A_30] : memref<76x128xi32, #tpu.memory_space<vmem>> -> memref<1x128xi32, #tpu.memory_space<vmem>>
    %dma_start3A_32 = tpu.memref_squeeze %dma_start3A_31 : memref<1x128xi32, #tpu.memory_space<vmem>> -> memref<128xi32, #tpu.memory_space<vmem>>
    %dma_start3A_33 = arith.constant 0 : i32
    %dma_start3A_34 = arith.constant 0 : i32
    %dma_start3A_35 = tpu.memref_slice %arg2[%dma_start3A_33, %dma_start3A_34] : memref<100000x128xf32, #tpu.memory_space<hbm>> -> memref<100000x128xf32, #tpu.memory_space<hbm>>
    tpu.enqueue_indirect_dma source(%dma_start3A_35 : memref<100000x128xf32, #tpu.memory_space<hbm>>) target(%dma_start3A_29 : memref<128x128xf32, #tpu.memory_space<vmem>>) offsets(%dma_start3A_32 : memref<128xi32, #tpu.memory_space<vmem>>) semaphore(%arg11 : memref<!tpu.dma_semaphore, #tpu.memory_space<semaphore_mem>>)
    %scan3A = arith.constant 0 : i32
    %scan3A_36 = arith.constant 0 : i32
    %scan3A_37 = arith.constant 19 : i32
    %scan3A_38 = arith.addi %scan3A_36, %scan3A_37 : i32
    %scan3A_39 = arith.constant 1 : i32
    scf.for %scan3A_52 = %scan3A_36 to %scan3A_38 step %scan3A_39  : i32 {
      %mul3A_53 = arith.constant 4 : i32
      %mul3A_54 = arith.muli %mul3A_53, %scan3A_52 : i32
      %add3A_55 = arith.constant 0 : i32
      %add3A_56 = arith.addi %mul3A_54, %add3A_55 : i32
      %dma_wait3A_57 = arith.constant 0 : i32
      %dma_wait3A_58 = arith.constant 0 : i32
      %dma_wait3A_59 = arith.constant 0 : i32
      %dma_wait3A_60 = tpu.memref_slice %arg8[%dma_wait3A_57, %dma_wait3A_58, %dma_wait3A_59] : memref<4x128x128xf32, #tpu.memory_space<vmem>> -> memref<1x128x128xf32, #tpu.memory_space<vmem>>
      %dma_wait3A_61 = tpu.memref_squeeze %dma_wait3A_60 : memref<1x128x128xf32, #tpu.memory_space<vmem>> -> memref<128x128xf32, #tpu.memory_space<vmem>>
      %dma_wait3A_62 = arith.constant 0 : i32
      %dma_wait3A_63 = tpu.memref_slice %arg6[%add3A_56, %dma_wait3A_62] : memref<76x128xi32, #tpu.memory_space<vmem>> -> memref<1x128xi32, #tpu.memory_space<vmem>>
      %dma_wait3A_64 = tpu.memref_squeeze %dma_wait3A_63 : memref<1x128xi32, #tpu.memory_space<vmem>> -> memref<128xi32, #tpu.memory_space<vmem>>
      %dma_wait3A_65 = arith.constant 0 : i32
      %dma_wait3A_66 = arith.constant 0 : i32
      %dma_wait3A_67 = tpu.memref_slice %arg2[%dma_wait3A_65, %dma_wait3A_66] : memref<100000x128xf32, #tpu.memory_space<hbm>> -> memref<100000x128xf32, #tpu.memory_space<hbm>>
      tpu.wait_indirect_dma semaphore(%arg9 : memref<!tpu.dma_semaphore, #tpu.memory_space<semaphore_mem>>) src(%dma_wait3A_67 : memref<100000x128xf32, #tpu.memory_space<hbm>>) dst(%dma_wait3A_61 : memref<128x128xf32, #tpu.memory_space<vmem>>)
      %ge3A = arith.constant 1 : i32
      %ge3A_68 = arith.cmpi sge, %add3A_56, %ge3A : i32
      %convert_element_type3A = arith.extui %ge3A_68 : i1 to i32
      %cond3A = arith.constant 0 : i32
      %cond3A_69 = arith.cmpi ne, %convert_element_type3A, %cond3A : i32
      scf.if %cond3A_69 {
        %sub3A_208 = arith.constant 1 : i32
        %sub3A_209 = arith.subi %add3A_56, %sub3A_208 : i32
        %dma_wait3A_210 = arith.constant 3 : i32
        %dma_wait3A_211 = arith.constant 0 : i32
        %dma_wait3A_212 = arith.constant 0 : i32
        %dma_wait3A_213 = tpu.memref_slice %arg8[%dma_wait3A_210, %dma_wait3A_211, %dma_wait3A_212] : memref<4x128x128xf32, #tpu.memory_space<vmem>> -> memref<1x128x128xf32, #tpu.memory_space<vmem>>
        %dma_wait3A_214 = tpu.memref_squeeze %dma_wait3A_213 : memref<1x128x128xf32, #tpu.memory_space<vmem>> -> memref<128x128xf32, #tpu.memory_space<vmem>>
        %dma_wait3A_215 = arith.constant 0 : i32
        %dma_wait3A_216 = tpu.memref_slice %arg7[%sub3A_209, %dma_wait3A_215] : memref<76x128xi32, #tpu.memory_space<vmem>> -> memref<1x128xi32, #tpu.memory_space<vmem>>
        %dma_wait3A_217 = tpu.memref_squeeze %dma_wait3A_216 : memref<1x128xi32, #tpu.memory_space<vmem>> -> memref<128xi32, #tpu.memory_space<vmem>>
        %dma_wait3A_218 = arith.constant 0 : i32
        %dma_wait3A_219 = arith.constant 0 : i32
        %dma_wait3A_220 = tpu.memref_slice %arg5[%dma_wait3A_218, %dma_wait3A_219] : memref<307200x128xf32, #tpu.memory_space<hbm>> -> memref<307200x128xf32, #tpu.memory_space<hbm>>
        tpu.wait_indirect_dma semaphore(%arg16 : memref<!tpu.dma_semaphore, #tpu.memory_space<semaphore_mem>>) src(%dma_wait3A_214 : memref<128x128xf32, #tpu.memory_space<vmem>>) dst(%dma_wait3A_220 : memref<307200x128xf32, #tpu.memory_space<hbm>>)
      } else {
      }
      %dma_start3A_70 = arith.constant 0 : i32
      %dma_start3A_71 = arith.constant 0 : i32
      %dma_start3A_72 = arith.constant 0 : i32
      %dma_start3A_73 = tpu.memref_slice %arg8[%dma_start3A_70, %dma_start3A_71, %dma_start3A_72] : memref<4x128x128xf32, #tpu.memory_space<vmem>> -> memref<1x128x128xf32, #tpu.memory_space<vmem>>
      %dma_start3A_74 = tpu.memref_squeeze %dma_start3A_73 : memref<1x128x128xf32, #tpu.memory_space<vmem>> -> memref<128x128xf32, #tpu.memory_space<vmem>>
      %dma_start3A_75 = arith.constant 0 : i32
      %dma_start3A_76 = tpu.memref_slice %arg7[%add3A_56, %dma_start3A_75] : memref<76x128xi32, #tpu.memory_space<vmem>> -> memref<1x128xi32, #tpu.memory_space<vmem>>
      %dma_start3A_77 = tpu.memref_squeeze %dma_start3A_76 : memref<1x128xi32, #tpu.memory_space<vmem>> -> memref<128xi32, #tpu.memory_space<vmem>>
      %dma_start3A_78 = arith.constant 0 : i32
      %dma_start3A_79 = arith.constant 0 : i32
      %dma_start3A_80 = tpu.memref_slice %arg5[%dma_start3A_78, %dma_start3A_79] : memref<307200x128xf32, #tpu.memory_space<hbm>> -> memref<307200x128xf32, #tpu.memory_space<hbm>>
      tpu.enqueue_indirect_dma source(%dma_start3A_74 : memref<128x128xf32, #tpu.memory_space<vmem>>) target(%dma_start3A_80 : memref<307200x128xf32, #tpu.memory_space<hbm>>) offsets(%dma_start3A_77 : memref<128xi32, #tpu.memory_space<vmem>>) semaphore(%arg13 : memref<!tpu.dma_semaphore, #tpu.memory_space<semaphore_mem>>)
      %add3A_81 = arith.constant 4 : i32
      %add3A_82 = arith.addi %add3A_56, %add3A_81 : i32
      %sub3A = arith.constant 1 : i32
      %sub3A_83 = arith.subi %add3A_82, %sub3A : i32
      %lt3A = arith.constant 76 : i32
      %lt3A_84 = arith.cmpi slt, %sub3A_83, %lt3A : i32
      %convert_element_type3A_85 = arith.extui %lt3A_84 : i1 to i32
      %cond3A_86 = arith.constant 0 : i32
      %cond3A_87 = arith.cmpi ne, %convert_element_type3A_85, %cond3A_86 : i32
      scf.if %cond3A_87 {
        %add3A_208 = arith.constant 4 : i32
        %add3A_209 = arith.addi %add3A_56, %add3A_208 : i32
        %sub3A_210 = arith.constant 1 : i32
        %sub3A_211 = arith.subi %add3A_209, %sub3A_210 : i32
        %dma_start3A_212 = arith.constant 3 : i32
        %dma_start3A_213 = arith.constant 0 : i32
        %dma_start3A_214 = arith.constant 0 : i32
        %dma_start3A_215 = tpu.memref_slice %arg8[%dma_start3A_212, %dma_start3A_213, %dma_start3A_214] : memref<4x128x128xf32, #tpu.memory_space<vmem>> -> memref<1x128x128xf32, #tpu.memory_space<vmem>>
        %dma_start3A_216 = tpu.memref_squeeze %dma_start3A_215 : memref<1x128x128xf32, #tpu.memory_space<vmem>> -> memref<128x128xf32, #tpu.memory_space<vmem>>
        %dma_start3A_217 = arith.constant 0 : i32
        %dma_start3A_218 = tpu.memref_slice %arg6[%sub3A_211, %dma_start3A_217] : memref<76x128xi32, #tpu.memory_space<vmem>> -> memref<1x128xi32, #tpu.memory_space<vmem>>
        %dma_start3A_219 = tpu.memref_squeeze %dma_start3A_218 : memref<1x128xi32, #tpu.memory_space<vmem>> -> memref<128xi32, #tpu.memory_space<vmem>>
        %dma_start3A_220 = arith.constant 0 : i32
        %dma_start3A_221 = arith.constant 0 : i32
        %dma_start3A_222 = tpu.memref_slice %arg2[%dma_start3A_220, %dma_start3A_221] : memref<100000x128xf32, #tpu.memory_space<hbm>> -> memref<100000x128xf32, #tpu.memory_space<hbm>>
        tpu.enqueue_indirect_dma source(%dma_start3A_222 : memref<100000x128xf32, #tpu.memory_space<hbm>>) target(%dma_start3A_216 : memref<128x128xf32, #tpu.memory_space<vmem>>) offsets(%dma_start3A_219 : memref<128xi32, #tpu.memory_space<vmem>>) semaphore(%arg12 : memref<!tpu.dma_semaphore, #tpu.memory_space<semaphore_mem>>)
      } else {
      }
      %mul3A_88 = arith.constant 4 : i32
      %mul3A_89 = arith.muli %mul3A_88, %scan3A_52 : i32
      %add3A_90 = arith.constant 1 : i32
      %add3A_91 = arith.addi %mul3A_89, %add3A_90 : i32
      %dma_wait3A_92 = arith.constant 1 : i32
      %dma_wait3A_93 = arith.constant 0 : i32
      %dma_wait3A_94 = arith.constant 0 : i32
      %dma_wait3A_95 = tpu.memref_slice %arg8[%dma_wait3A_92, %dma_wait3A_93, %dma_wait3A_94] : memref<4x128x128xf32, #tpu.memory_space<vmem>> -> memref<1x128x128xf32, #tpu.memory_space<vmem>>
      %dma_wait3A_96 = tpu.memref_squeeze %dma_wait3A_95 : memref<1x128x128xf32, #tpu.memory_space<vmem>> -> memref<128x128xf32, #tpu.memory_space<vmem>>
      %dma_wait3A_97 = arith.constant 0 : i32
      %dma_wait3A_98 = tpu.memref_slice %arg6[%add3A_91, %dma_wait3A_97] : memref<76x128xi32, #tpu.memory_space<vmem>> -> memref<1x128xi32, #tpu.memory_space<vmem>>
      %dma_wait3A_99 = tpu.memref_squeeze %dma_wait3A_98 : memref<1x128xi32, #tpu.memory_space<vmem>> -> memref<128xi32, #tpu.memory_space<vmem>>
      %dma_wait3A_100 = arith.constant 0 : i32
      %dma_wait3A_101 = arith.constant 0 : i32
      %dma_wait3A_102 = tpu.memref_slice %arg2[%dma_wait3A_100, %dma_wait3A_101] : memref<100000x128xf32, #tpu.memory_space<hbm>> -> memref<100000x128xf32, #tpu.memory_space<hbm>>
      tpu.wait_indirect_dma semaphore(%arg10 : memref<!tpu.dma_semaphore, #tpu.memory_space<semaphore_mem>>) src(%dma_wait3A_102 : memref<100000x128xf32, #tpu.memory_space<hbm>>) dst(%dma_wait3A_96 : memref<128x128xf32, #tpu.memory_space<vmem>>)
      %ge3A_103 = arith.constant 1 : i32
      %ge3A_104 = arith.cmpi sge, %add3A_91, %ge3A_103 : i32
      %convert_element_type3A_105 = arith.extui %ge3A_104 : i1 to i32
      %cond3A_106 = arith.constant 0 : i32
      %cond3A_107 = arith.cmpi ne, %convert_element_type3A_105, %cond3A_106 : i32
      scf.if %cond3A_107 {
        %sub3A_208 = arith.constant 1 : i32
        %sub3A_209 = arith.subi %add3A_91, %sub3A_208 : i32
        %dma_wait3A_210 = arith.constant 0 : i32
        %dma_wait3A_211 = arith.constant 0 : i32
        %dma_wait3A_212 = arith.constant 0 : i32
        %dma_wait3A_213 = tpu.memref_slice %arg8[%dma_wait3A_210, %dma_wait3A_211, %dma_wait3A_212] : memref<4x128x128xf32, #tpu.memory_space<vmem>> -> memref<1x128x128xf32, #tpu.memory_space<vmem>>
        %dma_wait3A_214 = tpu.memref_squeeze %dma_wait3A_213 : memref<1x128x128xf32, #tpu.memory_space<vmem>> -> memref<128x128xf32, #tpu.memory_space<vmem>>
        %dma_wait3A_215 = arith.constant 0 : i32
        %dma_wait3A_216 = tpu.memref_slice %arg7[%sub3A_209, %dma_wait3A_215] : memref<76x128xi32, #tpu.memory_space<vmem>> -> memref<1x128xi32, #tpu.memory_space<vmem>>
        %dma_wait3A_217 = tpu.memref_squeeze %dma_wait3A_216 : memref<1x128xi32, #tpu.memory_space<vmem>> -> memref<128xi32, #tpu.memory_space<vmem>>
        %dma_wait3A_218 = arith.constant 0 : i32
        %dma_wait3A_219 = arith.constant 0 : i32
        %dma_wait3A_220 = tpu.memref_slice %arg5[%dma_wait3A_218, %dma_wait3A_219] : memref<307200x128xf32, #tpu.memory_space<hbm>> -> memref<307200x128xf32, #tpu.memory_space<hbm>>
        tpu.wait_indirect_dma semaphore(%arg13 : memref<!tpu.dma_semaphore, #tpu.memory_space<semaphore_mem>>) src(%dma_wait3A_214 : memref<128x128xf32, #tpu.memory_space<vmem>>) dst(%dma_wait3A_220 : memref<307200x128xf32, #tpu.memory_space<hbm>>)
      } else {
      }
      %dma_start3A_108 = arith.constant 1 : i32
      %dma_start3A_109 = arith.constant 0 : i32
      %dma_start3A_110 = arith.constant 0 : i32
      %dma_start3A_111 = tpu.memref_slice %arg8[%dma_start3A_108, %dma_start3A_109, %dma_start3A_110] : memref<4x128x128xf32, #tpu.memory_space<vmem>> -> memref<1x128x128xf32, #tpu.memory_space<vmem>>
      %dma_start3A_112 = tpu.memref_squeeze %dma_start3A_111 : memref<1x128x128xf32, #tpu.memory_space<vmem>> -> memref<128x128xf32, #tpu.memory_space<vmem>>
      %dma_start3A_113 = arith.constant 0 : i32
      %dma_start3A_114 = tpu.memref_slice %arg7[%add3A_91, %dma_start3A_113] : memref<76x128xi32, #tpu.memory_space<vmem>> -> memref<1x128xi32, #tpu.memory_space<vmem>>
      %dma_start3A_115 = tpu.memref_squeeze %dma_start3A_114 : memref<1x128xi32, #tpu.memory_space<vmem>> -> memref<128xi32, #tpu.memory_space<vmem>>
      %dma_start3A_116 = arith.constant 0 : i32
      %dma_start3A_117 = arith.constant 0 : i32
      %dma_start3A_118 = tpu.memref_slice %arg5[%dma_start3A_116, %dma_start3A_117] : memref<307200x128xf32, #tpu.memory_space<hbm>> -> memref<307200x128xf32, #tpu.memory_space<hbm>>
      tpu.enqueue_indirect_dma source(%dma_start3A_112 : memref<128x128xf32, #tpu.memory_space<vmem>>) target(%dma_start3A_118 : memref<307200x128xf32, #tpu.memory_space<hbm>>) offsets(%dma_start3A_115 : memref<128xi32, #tpu.memory_space<vmem>>) semaphore(%arg14 : memref<!tpu.dma_semaphore, #tpu.memory_space<semaphore_mem>>)
      %add3A_119 = arith.constant 4 : i32
      %add3A_120 = arith.addi %add3A_91, %add3A_119 : i32
      %sub3A_121 = arith.constant 1 : i32
      %sub3A_122 = arith.subi %add3A_120, %sub3A_121 : i32
      %lt3A_123 = arith.constant 76 : i32
      %lt3A_124 = arith.cmpi slt, %sub3A_122, %lt3A_123 : i32
      %convert_element_type3A_125 = arith.extui %lt3A_124 : i1 to i32
      %cond3A_126 = arith.constant 0 : i32
      %cond3A_127 = arith.cmpi ne, %convert_element_type3A_125, %cond3A_126 : i32
      scf.if %cond3A_127 {
        %add3A_208 = arith.constant 4 : i32
        %add3A_209 = arith.addi %add3A_91, %add3A_208 : i32
        %sub3A_210 = arith.constant 1 : i32
        %sub3A_211 = arith.subi %add3A_209, %sub3A_210 : i32
        %dma_start3A_212 = arith.constant 0 : i32
        %dma_start3A_213 = arith.constant 0 : i32
        %dma_start3A_214 = arith.constant 0 : i32
        %dma_start3A_215 = tpu.memref_slice %arg8[%dma_start3A_212, %dma_start3A_213, %dma_start3A_214] : memref<4x128x128xf32, #tpu.memory_space<vmem>> -> memref<1x128x128xf32, #tpu.memory_space<vmem>>
        %dma_start3A_216 = tpu.memref_squeeze %dma_start3A_215 : memref<1x128x128xf32, #tpu.memory_space<vmem>> -> memref<128x128xf32, #tpu.memory_space<vmem>>
        %dma_start3A_217 = arith.constant 0 : i32
        %dma_start3A_218 = tpu.memref_slice %arg6[%sub3A_211, %dma_start3A_217] : memref<76x128xi32, #tpu.memory_space<vmem>> -> memref<1x128xi32, #tpu.memory_space<vmem>>
        %dma_start3A_219 = tpu.memref_squeeze %dma_start3A_218 : memref<1x128xi32, #tpu.memory_space<vmem>> -> memref<128xi32, #tpu.memory_space<vmem>>
        %dma_start3A_220 = arith.constant 0 : i32
        %dma_start3A_221 = arith.constant 0 : i32
        %dma_start3A_222 = tpu.memref_slice %arg2[%dma_start3A_220, %dma_start3A_221] : memref<100000x128xf32, #tpu.memory_space<hbm>> -> memref<100000x128xf32, #tpu.memory_space<hbm>>
        tpu.enqueue_indirect_dma source(%dma_start3A_222 : memref<100000x128xf32, #tpu.memory_space<hbm>>) target(%dma_start3A_216 : memref<128x128xf32, #tpu.memory_space<vmem>>) offsets(%dma_start3A_219 : memref<128xi32, #tpu.memory_space<vmem>>) semaphore(%arg9 : memref<!tpu.dma_semaphore, #tpu.memory_space<semaphore_mem>>)
      } else {
      }
      %mul3A_128 = arith.constant 4 : i32
      %mul3A_129 = arith.muli %mul3A_128, %scan3A_52 : i32
      %add3A_130 = arith.constant 2 : i32
      %add3A_131 = arith.addi %mul3A_129, %add3A_130 : i32
      %dma_wait3A_132 = arith.constant 2 : i32
      %dma_wait3A_133 = arith.constant 0 : i32
      %dma_wait3A_134 = arith.constant 0 : i32
      %dma_wait3A_135 = tpu.memref_slice %arg8[%dma_wait3A_132, %dma_wait3A_133, %dma_wait3A_134] : memref<4x128x128xf32, #tpu.memory_space<vmem>> -> memref<1x128x128xf32, #tpu.memory_space<vmem>>
      %dma_wait3A_136 = tpu.memref_squeeze %dma_wait3A_135 : memref<1x128x128xf32, #tpu.memory_space<vmem>> -> memref<128x128xf32, #tpu.memory_space<vmem>>
      %dma_wait3A_137 = arith.constant 0 : i32
      %dma_wait3A_138 = tpu.memref_slice %arg6[%add3A_131, %dma_wait3A_137] : memref<76x128xi32, #tpu.memory_space<vmem>> -> memref<1x128xi32, #tpu.memory_space<vmem>>
      %dma_wait3A_139 = tpu.memref_squeeze %dma_wait3A_138 : memref<1x128xi32, #tpu.memory_space<vmem>> -> memref<128xi32, #tpu.memory_space<vmem>>
      %dma_wait3A_140 = arith.constant 0 : i32
      %dma_wait3A_141 = arith.constant 0 : i32
      %dma_wait3A_142 = tpu.memref_slice %arg2[%dma_wait3A_140, %dma_wait3A_141] : memref<100000x128xf32, #tpu.memory_space<hbm>> -> memref<100000x128xf32, #tpu.memory_space<hbm>>
      tpu.wait_indirect_dma semaphore(%arg11 : memref<!tpu.dma_semaphore, #tpu.memory_space<semaphore_mem>>) src(%dma_wait3A_142 : memref<100000x128xf32, #tpu.memory_space<hbm>>) dst(%dma_wait3A_136 : memref<128x128xf32, #tpu.memory_space<vmem>>)
      %ge3A_143 = arith.constant 1 : i32
      %ge3A_144 = arith.cmpi sge, %add3A_131, %ge3A_143 : i32
      %convert_element_type3A_145 = arith.extui %ge3A_144 : i1 to i32
      %cond3A_146 = arith.constant 0 : i32
      %cond3A_147 = arith.cmpi ne, %convert_element_type3A_145, %cond3A_146 : i32
      scf.if %cond3A_147 {
        %sub3A_208 = arith.constant 1 : i32
        %sub3A_209 = arith.subi %add3A_131, %sub3A_208 : i32
        %dma_wait3A_210 = arith.constant 1 : i32
        %dma_wait3A_211 = arith.constant 0 : i32
        %dma_wait3A_212 = arith.constant 0 : i32
        %dma_wait3A_213 = tpu.memref_slice %arg8[%dma_wait3A_210, %dma_wait3A_211, %dma_wait3A_212] : memref<4x128x128xf32, #tpu.memory_space<vmem>> -> memref<1x128x128xf32, #tpu.memory_space<vmem>>
        %dma_wait3A_214 = tpu.memref_squeeze %dma_wait3A_213 : memref<1x128x128xf32, #tpu.memory_space<vmem>> -> memref<128x128xf32, #tpu.memory_space<vmem>>
        %dma_wait3A_215 = arith.constant 0 : i32
        %dma_wait3A_216 = tpu.memref_slice %arg7[%sub3A_209, %dma_wait3A_215] : memref<76x128xi32, #tpu.memory_space<vmem>> -> memref<1x128xi32, #tpu.memory_space<vmem>>
        %dma_wait3A_217 = tpu.memref_squeeze %dma_wait3A_216 : memref<1x128xi32, #tpu.memory_space<vmem>> -> memref<128xi32, #tpu.memory_space<vmem>>
        %dma_wait3A_218 = arith.constant 0 : i32
        %dma_wait3A_219 = arith.constant 0 : i32
        %dma_wait3A_220 = tpu.memref_slice %arg5[%dma_wait3A_218, %dma_wait3A_219] : memref<307200x128xf32, #tpu.memory_space<hbm>> -> memref<307200x128xf32, #tpu.memory_space<hbm>>
        tpu.wait_indirect_dma semaphore(%arg14 : memref<!tpu.dma_semaphore, #tpu.memory_space<semaphore_mem>>) src(%dma_wait3A_214 : memref<128x128xf32, #tpu.memory_space<vmem>>) dst(%dma_wait3A_220 : memref<307200x128xf32, #tpu.memory_space<hbm>>)
      } else {
      }
      %dma_start3A_148 = arith.constant 2 : i32
      %dma_start3A_149 = arith.constant 0 : i32
      %dma_start3A_150 = arith.constant 0 : i32
      %dma_start3A_151 = tpu.memref_slice %arg8[%dma_start3A_148, %dma_start3A_149, %dma_start3A_150] : memref<4x128x128xf32, #tpu.memory_space<vmem>> -> memref<1x128x128xf32, #tpu.memory_space<vmem>>
      %dma_start3A_152 = tpu.memref_squeeze %dma_start3A_151 : memref<1x128x128xf32, #tpu.memory_space<vmem>> -> memref<128x128xf32, #tpu.memory_space<vmem>>
      %dma_start3A_153 = arith.constant 0 : i32
      %dma_start3A_154 = tpu.memref_slice %arg7[%add3A_131, %dma_start3A_153] : memref<76x128xi32, #tpu.memory_space<vmem>> -> memref<1x128xi32, #tpu.memory_space<vmem>>
      %dma_start3A_155 = tpu.memref_squeeze %dma_start3A_154 : memref<1x128xi32, #tpu.memory_space<vmem>> -> memref<128xi32, #tpu.memory_space<vmem>>
      %dma_start3A_156 = arith.constant 0 : i32
      %dma_start3A_157 = arith.constant 0 : i32
      %dma_start3A_158 = tpu.memref_slice %arg5[%dma_start3A_156, %dma_start3A_157] : memref<307200x128xf32, #tpu.memory_space<hbm>> -> memref<307200x128xf32, #tpu.memory_space<hbm>>
      tpu.enqueue_indirect_dma source(%dma_start3A_152 : memref<128x128xf32, #tpu.memory_space<vmem>>) target(%dma_start3A_158 : memref<307200x128xf32, #tpu.memory_space<hbm>>) offsets(%dma_start3A_155 : memref<128xi32, #tpu.memory_space<vmem>>) semaphore(%arg15 : memref<!tpu.dma_semaphore, #tpu.memory_space<semaphore_mem>>)
      %add3A_159 = arith.constant 4 : i32
      %add3A_160 = arith.addi %add3A_131, %add3A_159 : i32
      %sub3A_161 = arith.constant 1 : i32
      %sub3A_162 = arith.subi %add3A_160, %sub3A_161 : i32
      %lt3A_163 = arith.constant 76 : i32
      %lt3A_164 = arith.cmpi slt, %sub3A_162, %lt3A_163 : i32
      %convert_element_type3A_165 = arith.extui %lt3A_164 : i1 to i32
      %cond3A_166 = arith.constant 0 : i32
      %cond3A_167 = arith.cmpi ne, %convert_element_type3A_165, %cond3A_166 : i32
      scf.if %cond3A_167 {
        %add3A_208 = arith.constant 4 : i32
        %add3A_209 = arith.addi %add3A_131, %add3A_208 : i32
        %sub3A_210 = arith.constant 1 : i32
        %sub3A_211 = arith.subi %add3A_209, %sub3A_210 : i32
        %dma_start3A_212 = arith.constant 1 : i32
        %dma_start3A_213 = arith.constant 0 : i32
        %dma_start3A_214 = arith.constant 0 : i32
        %dma_start3A_215 = tpu.memref_slice %arg8[%dma_start3A_212, %dma_start3A_213, %dma_start3A_214] : memref<4x128x128xf32, #tpu.memory_space<vmem>> -> memref<1x128x128xf32, #tpu.memory_space<vmem>>
        %dma_start3A_216 = tpu.memref_squeeze %dma_start3A_215 : memref<1x128x128xf32, #tpu.memory_space<vmem>> -> memref<128x128xf32, #tpu.memory_space<vmem>>
        %dma_start3A_217 = arith.constant 0 : i32
        %dma_start3A_218 = tpu.memref_slice %arg6[%sub3A_211, %dma_start3A_217] : memref<76x128xi32, #tpu.memory_space<vmem>> -> memref<1x128xi32, #tpu.memory_space<vmem>>
        %dma_start3A_219 = tpu.memref_squeeze %dma_start3A_218 : memref<1x128xi32, #tpu.memory_space<vmem>> -> memref<128xi32, #tpu.memory_space<vmem>>
        %dma_start3A_220 = arith.constant 0 : i32
        %dma_start3A_221 = arith.constant 0 : i32
        %dma_start3A_222 = tpu.memref_slice %arg2[%dma_start3A_220, %dma_start3A_221] : memref<100000x128xf32, #tpu.memory_space<hbm>> -> memref<100000x128xf32, #tpu.memory_space<hbm>>
        tpu.enqueue_indirect_dma source(%dma_start3A_222 : memref<100000x128xf32, #tpu.memory_space<hbm>>) target(%dma_start3A_216 : memref<128x128xf32, #tpu.memory_space<vmem>>) offsets(%dma_start3A_219 : memref<128xi32, #tpu.memory_space<vmem>>) semaphore(%arg10 : memref<!tpu.dma_semaphore, #tpu.memory_space<semaphore_mem>>)
      } else {
      }
      %mul3A_168 = arith.constant 4 : i32
      %mul3A_169 = arith.muli %mul3A_168, %scan3A_52 : i32
      %add3A_170 = arith.constant 3 : i32
      %add3A_171 = arith.addi %mul3A_169, %add3A_170 : i32
      %dma_wait3A_172 = arith.constant 3 : i32
      %dma_wait3A_173 = arith.constant 0 : i32
      %dma_wait3A_174 = arith.constant 0 : i32
      %dma_wait3A_175 = tpu.memref_slice %arg8[%dma_wait3A_172, %dma_wait3A_173, %dma_wait3A_174] : memref<4x128x128xf32, #tpu.memory_space<vmem>> -> memref<1x128x128xf32, #tpu.memory_space<vmem>>
      %dma_wait3A_176 = tpu.memref_squeeze %dma_wait3A_175 : memref<1x128x128xf32, #tpu.memory_space<vmem>> -> memref<128x128xf32, #tpu.memory_space<vmem>>
      %dma_wait3A_177 = arith.constant 0 : i32
      %dma_wait3A_178 = tpu.memref_slice %arg6[%add3A_171, %dma_wait3A_177] : memref<76x128xi32, #tpu.memory_space<vmem>> -> memref<1x128xi32, #tpu.memory_space<vmem>>
      %dma_wait3A_179 = tpu.memref_squeeze %dma_wait3A_178 : memref<1x128xi32, #tpu.memory_space<vmem>> -> memref<128xi32, #tpu.memory_space<vmem>>
      %dma_wait3A_180 = arith.constant 0 : i32
      %dma_wait3A_181 = arith.constant 0 : i32
      %dma_wait3A_182 = tpu.memref_slice %arg2[%dma_wait3A_180, %dma_wait3A_181] : memref<100000x128xf32, #tpu.memory_space<hbm>> -> memref<100000x128xf32, #tpu.memory_space<hbm>>
      tpu.wait_indirect_dma semaphore(%arg12 : memref<!tpu.dma_semaphore, #tpu.memory_space<semaphore_mem>>) src(%dma_wait3A_182 : memref<100000x128xf32, #tpu.memory_space<hbm>>) dst(%dma_wait3A_176 : memref<128x128xf32, #tpu.memory_space<vmem>>)
      %ge3A_183 = arith.constant 1 : i32
      %ge3A_184 = arith.cmpi sge, %add3A_171, %ge3A_183 : i32
      %convert_element_type3A_185 = arith.extui %ge3A_184 : i1 to i32
      %cond3A_186 = arith.constant 0 : i32
      %cond3A_187 = arith.cmpi ne, %convert_element_type3A_185, %cond3A_186 : i32
      scf.if %cond3A_187 {
        %sub3A_208 = arith.constant 1 : i32
        %sub3A_209 = arith.subi %add3A_171, %sub3A_208 : i32
        %dma_wait3A_210 = arith.constant 2 : i32
        %dma_wait3A_211 = arith.constant 0 : i32
        %dma_wait3A_212 = arith.constant 0 : i32
        %dma_wait3A_213 = tpu.memref_slice %arg8[%dma_wait3A_210, %dma_wait3A_211, %dma_wait3A_212] : memref<4x128x128xf32, #tpu.memory_space<vmem>> -> memref<1x128x128xf32, #tpu.memory_space<vmem>>
        %dma_wait3A_214 = tpu.memref_squeeze %dma_wait3A_213 : memref<1x128x128xf32, #tpu.memory_space<vmem>> -> memref<128x128xf32, #tpu.memory_space<vmem>>
        %dma_wait3A_215 = arith.constant 0 : i32
        %dma_wait3A_216 = tpu.memref_slice %arg7[%sub3A_209, %dma_wait3A_215] : memref<76x128xi32, #tpu.memory_space<vmem>> -> memref<1x128xi32, #tpu.memory_space<vmem>>
        %dma_wait3A_217 = tpu.memref_squeeze %dma_wait3A_216 : memref<1x128xi32, #tpu.memory_space<vmem>> -> memref<128xi32, #tpu.memory_space<vmem>>
        %dma_wait3A_218 = arith.constant 0 : i32
        %dma_wait3A_219 = arith.constant 0 : i32
        %dma_wait3A_220 = tpu.memref_slice %arg5[%dma_wait3A_218, %dma_wait3A_219] : memref<307200x128xf32, #tpu.memory_space<hbm>> -> memref<307200x128xf32, #tpu.memory_space<hbm>>
        tpu.wait_indirect_dma semaphore(%arg15 : memref<!tpu.dma_semaphore, #tpu.memory_space<semaphore_mem>>) src(%dma_wait3A_214 : memref<128x128xf32, #tpu.memory_space<vmem>>) dst(%dma_wait3A_220 : memref<307200x128xf32, #tpu.memory_space<hbm>>)
      } else {
      }
      %dma_start3A_188 = arith.constant 3 : i32
      %dma_start3A_189 = arith.constant 0 : i32
      %dma_start3A_190 = arith.constant 0 : i32
      %dma_start3A_191 = tpu.memref_slice %arg8[%dma_start3A_188, %dma_start3A_189, %dma_start3A_190] : memref<4x128x128xf32, #tpu.memory_space<vmem>> -> memref<1x128x128xf32, #tpu.memory_space<vmem>>
      %dma_start3A_192 = tpu.memref_squeeze %dma_start3A_191 : memref<1x128x128xf32, #tpu.memory_space<vmem>> -> memref<128x128xf32, #tpu.memory_space<vmem>>
      %dma_start3A_193 = arith.constant 0 : i32
      %dma_start3A_194 = tpu.memref_slice %arg7[%add3A_171, %dma_start3A_193] : memref<76x128xi32, #tpu.memory_space<vmem>> -> memref<1x128xi32, #tpu.memory_space<vmem>>
      %dma_start3A_195 = tpu.memref_squeeze %dma_start3A_194 : memref<1x128xi32, #tpu.memory_space<vmem>> -> memref<128xi32, #tpu.memory_space<vmem>>
      %dma_start3A_196 = arith.constant 0 : i32
      %dma_start3A_197 = arith.constant 0 : i32
      %dma_start3A_198 = tpu.memref_slice %arg5[%dma_start3A_196, %dma_start3A_197] : memref<307200x128xf32, #tpu.memory_space<hbm>> -> memref<307200x128xf32, #tpu.memory_space<hbm>>
      tpu.enqueue_indirect_dma source(%dma_start3A_192 : memref<128x128xf32, #tpu.memory_space<vmem>>) target(%dma_start3A_198 : memref<307200x128xf32, #tpu.memory_space<hbm>>) offsets(%dma_start3A_195 : memref<128xi32, #tpu.memory_space<vmem>>) semaphore(%arg16 : memref<!tpu.dma_semaphore, #tpu.memory_space<semaphore_mem>>)
      %add3A_199 = arith.constant 4 : i32
      %add3A_200 = arith.addi %add3A_171, %add3A_199 : i32
      %sub3A_201 = arith.constant 1 : i32
      %sub3A_202 = arith.subi %add3A_200, %sub3A_201 : i32
      %lt3A_203 = arith.constant 76 : i32
      %lt3A_204 = arith.cmpi slt, %sub3A_202, %lt3A_203 : i32
      %convert_element_type3A_205 = arith.extui %lt3A_204 : i1 to i32
      %cond3A_206 = arith.constant 0 : i32
      %cond3A_207 = arith.cmpi ne, %convert_element_type3A_205, %cond3A_206 : i32
      scf.if %cond3A_207 {
        %add3A_208 = arith.constant 4 : i32
        %add3A_209 = arith.addi %add3A_171, %add3A_208 : i32
        %sub3A_210 = arith.constant 1 : i32
        %sub3A_211 = arith.subi %add3A_209, %sub3A_210 : i32
        %dma_start3A_212 = arith.constant 2 : i32
        %dma_start3A_213 = arith.constant 0 : i32
        %dma_start3A_214 = arith.constant 0 : i32
        %dma_start3A_215 = tpu.memref_slice %arg8[%dma_start3A_212, %dma_start3A_213, %dma_start3A_214] : memref<4x128x128xf32, #tpu.memory_space<vmem>> -> memref<1x128x128xf32, #tpu.memory_space<vmem>>
        %dma_start3A_216 = tpu.memref_squeeze %dma_start3A_215 : memref<1x128x128xf32, #tpu.memory_space<vmem>> -> memref<128x128xf32, #tpu.memory_space<vmem>>
        %dma_start3A_217 = arith.constant 0 : i32
        %dma_start3A_218 = tpu.memref_slice %arg6[%sub3A_211, %dma_start3A_217] : memref<76x128xi32, #tpu.memory_space<vmem>> -> memref<1x128xi32, #tpu.memory_space<vmem>>
        %dma_start3A_219 = tpu.memref_squeeze %dma_start3A_218 : memref<1x128xi32, #tpu.memory_space<vmem>> -> memref<128xi32, #tpu.memory_space<vmem>>
        %dma_start3A_220 = arith.constant 0 : i32
        %dma_start3A_221 = arith.constant 0 : i32
        %dma_start3A_222 = tpu.memref_slice %arg2[%dma_start3A_220, %dma_start3A_221] : memref<100000x128xf32, #tpu.memory_space<hbm>> -> memref<100000x128xf32, #tpu.memory_space<hbm>>
        tpu.enqueue_indirect_dma source(%dma_start3A_222 : memref<100000x128xf32, #tpu.memory_space<hbm>>) target(%dma_start3A_216 : memref<128x128xf32, #tpu.memory_space<vmem>>) offsets(%dma_start3A_219 : memref<128xi32, #tpu.memory_space<vmem>>) semaphore(%arg11 : memref<!tpu.dma_semaphore, #tpu.memory_space<semaphore_mem>>)
      } else {
      }
    }
    %scan3A_40 = arith.constant 19 : i32
    %dma_wait3A = arith.constant 3 : i32
    %dma_wait3A_41 = arith.constant 75 : i32
    %dma_wait3A_42 = arith.constant 0 : i32
    %dma_wait3A_43 = arith.constant 0 : i32
    %dma_wait3A_44 = tpu.memref_slice %arg8[%dma_wait3A, %dma_wait3A_42, %dma_wait3A_43] : memref<4x128x128xf32, #tpu.memory_space<vmem>> -> memref<1x128x128xf32, #tpu.memory_space<vmem>>
    %dma_wait3A_45 = tpu.memref_squeeze %dma_wait3A_44 : memref<1x128x128xf32, #tpu.memory_space<vmem>> -> memref<128x128xf32, #tpu.memory_space<vmem>>
    %dma_wait3A_46 = arith.constant 0 : i32
    %dma_wait3A_47 = tpu.memref_slice %arg7[%dma_wait3A_41, %dma_wait3A_46] : memref<76x128xi32, #tpu.memory_space<vmem>> -> memref<1x128xi32, #tpu.memory_space<vmem>>
    %dma_wait3A_48 = tpu.memref_squeeze %dma_wait3A_47 : memref<1x128xi32, #tpu.memory_space<vmem>> -> memref<128xi32, #tpu.memory_space<vmem>>
    %dma_wait3A_49 = arith.constant 0 : i32
    %dma_wait3A_50 = arith.constant 0 : i32
    %dma_wait3A_51 = tpu.memref_slice %arg5[%dma_wait3A_49, %dma_wait3A_50] : memref<307200x128xf32, #tpu.memory_space<hbm>> -> memref<307200x128xf32, #tpu.memory_space<hbm>>
    tpu.wait_indirect_dma semaphore(%arg16 : memref<!tpu.dma_semaphore, #tpu.memory_space<semaphore_mem>>) src(%dma_wait3A_45 : memref<128x128xf32, #tpu.memory_space<vmem>>) dst(%dma_wait3A_51 : memref<307200x128xf32, #tpu.memory_space<hbm>>)
    return
  }
}

module attributes {stable_mosaic.version = 14 : i64} {
  func.func @body(%arg0: i32, %arg1: memref<2000x128xf32, #tpu.memory_space<vmem>>, %arg2: memref<3x2000x128xf32, #tpu.memory_space<vmem>>, %arg3: memref<512x128xf32, #tpu.memory_space<vmem>>, %arg4: memref<1x128xf32, #tpu.memory_space<vmem>>, %arg5: memref<2000x128xf32, #tpu.memory_space<vmem>>) attributes {dimension_semantics = [#tpu.dimension_semantics<arbitrary>], iteration_bounds = array<i64: 50>, scalar_prefetch = 0 : i64, scratch_operands = 0 : i64, tpu.core_type = #tpu.core_type<tc>, window_params = [{transform_indices = @transform_0, window_bounds = array<i64: 2000, 128>}, {transform_indices = @transform_1, window_bounds = array<i64: 3, 2000, 128>}, {pipeline_mode = #tpu.pipeline_mode<synchronous>, transform_indices = @transform_2, window_bounds = array<i64: 512, 128>}, {pipeline_mode = #tpu.pipeline_mode<synchronous>, transform_indices = @transform_3, window_bounds = array<i64: 1, 128>}, {transform_indices = @transform_4, window_bounds = array<i64: 2000, 128>}]} {
    %get3A = arith.constant 0 : index
    %get3A_0 = arith.constant 0 : index
    %get3A_1 = vector.load %arg1[%get3A, %get3A_0] : memref<2000x128xf32, #tpu.memory_space<vmem>>, vector<2000x128xf32>
    %get3A_2 = arith.constant 0 : index
    %get3A_3 = arith.constant 0 : index
    %get3A_4 = arith.constant 0 : index
    %get3A_5 = vector.load %arg2[%get3A_2, %get3A_3, %get3A_4] : memref<3x2000x128xf32, #tpu.memory_space<vmem>>, vector<1x2000x128xf32>
    %get3A_6 = vector.shape_cast %get3A_5 : vector<1x2000x128xf32> to vector<2000x128xf32>
    %get3A_7 = arith.constant 1 : index
    %get3A_8 = arith.constant 0 : index
    %get3A_9 = arith.constant 0 : index
    %get3A_10 = vector.load %arg2[%get3A_7, %get3A_8, %get3A_9] : memref<3x2000x128xf32, #tpu.memory_space<vmem>>, vector<1x2000x128xf32>
    %get3A_11 = vector.shape_cast %get3A_10 : vector<1x2000x128xf32> to vector<2000x128xf32>
    %get3A_12 = arith.constant 2 : index
    %get3A_13 = arith.constant 0 : index
    %get3A_14 = arith.constant 0 : index
    %get3A_15 = vector.load %arg2[%get3A_12, %get3A_13, %get3A_14] : memref<3x2000x128xf32, #tpu.memory_space<vmem>>, vector<1x2000x128xf32>
    %get3A_16 = vector.shape_cast %get3A_15 : vector<1x2000x128xf32> to vector<2000x128xf32>
    %add3A = arith.addf %get3A_6, %get3A_11 : vector<2000x128xf32>
    %add3A_17 = arith.addf %add3A, %get3A_16 : vector<2000x128xf32>
    %sub3A = arith.subf %get3A_16, %get3A_6 : vector<2000x128xf32>
    %abs3A = math.absf %sub3A : vector<2000x128xf32>
    %sub3A_18 = arith.subf %get3A_6, %get3A_11 : vector<2000x128xf32>
    %abs3A_19 = math.absf %sub3A_18 : vector<2000x128xf32>
    %add3A_20 = arith.addf %abs3A, %abs3A_19 : vector<2000x128xf32>
    %sub3A_21 = arith.subf %get3A_11, %get3A_16 : vector<2000x128xf32>
    %abs3A_22 = math.absf %sub3A_21 : vector<2000x128xf32>
    %add3A_23 = arith.addf %add3A_20, %abs3A_22 : vector<2000x128xf32>
    %sub3A_24 = arith.subf %get3A_1, %get3A_6 : vector<2000x128xf32>
    %abs3A_25 = math.absf %sub3A_24 : vector<2000x128xf32>
    %sub3A_26 = arith.subf %get3A_1, %get3A_11 : vector<2000x128xf32>
    %abs3A_27 = math.absf %sub3A_26 : vector<2000x128xf32>
    %add3A_28 = arith.addf %abs3A_25, %abs3A_27 : vector<2000x128xf32>
    %sub3A_29 = arith.subf %get3A_1, %get3A_16 : vector<2000x128xf32>
    %abs3A_30 = math.absf %sub3A_29 : vector<2000x128xf32>
    %add3A_31 = arith.addf %add3A_28, %abs3A_30 : vector<2000x128xf32>
    %get3A_32 = arith.constant 0 : index
    %get3A_33 = arith.constant 0 : index
    %get3A_34 = vector.load %arg3[%get3A_32, %get3A_33] : memref<512x128xf32, #tpu.memory_space<vmem>>, vector<128x128xf32>
    %dot_general3A = arith.constant dense<0.000000e+00> : vector<2000x128xf32>
    %dot_general3A_35 = tpu.matmul %get3A_1, %get3A_34, %dot_general3A {dimension_numbers = #tpu.dot_dimension_numbers<[1], [0], [0], [1], [0, 0, 1, 1], [], []>, transpose_lhs_hint = false} : vector<2000x128xf32>, vector<128x128xf32>, vector<2000x128xf32> -> vector<2000x128xf32>
    %get3A_36 = arith.constant 128 : index
    %get3A_37 = arith.constant 0 : index
    %get3A_38 = vector.load %arg3[%get3A_36, %get3A_37] : memref<512x128xf32, #tpu.memory_space<vmem>>, vector<128x128xf32>
    %dot_general3A_39 = arith.constant dense<0.000000e+00> : vector<2000x128xf32>
    %dot_general3A_40 = tpu.matmul %add3A_17, %get3A_38, %dot_general3A_39 {dimension_numbers = #tpu.dot_dimension_numbers<[1], [0], [0], [1], [0, 0, 1, 1], [], []>, transpose_lhs_hint = false} : vector<2000x128xf32>, vector<128x128xf32>, vector<2000x128xf32> -> vector<2000x128xf32>
    %add3A_41 = arith.addf %dot_general3A_35, %dot_general3A_40 : vector<2000x128xf32>
    %get3A_42 = arith.constant 256 : index
    %get3A_43 = arith.constant 0 : index
    %get3A_44 = vector.load %arg3[%get3A_42, %get3A_43] : memref<512x128xf32, #tpu.memory_space<vmem>>, vector<128x128xf32>
    %dot_general3A_45 = arith.constant dense<0.000000e+00> : vector<2000x128xf32>
    %dot_general3A_46 = tpu.matmul %add3A_23, %get3A_44, %dot_general3A_45 {dimension_numbers = #tpu.dot_dimension_numbers<[1], [0], [0], [1], [0, 0, 1, 1], [], []>, transpose_lhs_hint = false} : vector<2000x128xf32>, vector<128x128xf32>, vector<2000x128xf32> -> vector<2000x128xf32>
    %add3A_47 = arith.addf %add3A_41, %dot_general3A_46 : vector<2000x128xf32>
    %get3A_48 = arith.constant 384 : index
    %get3A_49 = arith.constant 0 : index
    %get3A_50 = vector.load %arg3[%get3A_48, %get3A_49] : memref<512x128xf32, #tpu.memory_space<vmem>>, vector<128x128xf32>
    %dot_general3A_51 = arith.constant dense<0.000000e+00> : vector<2000x128xf32>
    %dot_general3A_52 = tpu.matmul %add3A_31, %get3A_50, %dot_general3A_51 {dimension_numbers = #tpu.dot_dimension_numbers<[1], [0], [0], [1], [0, 0, 1, 1], [], []>, transpose_lhs_hint = false} : vector<2000x128xf32>, vector<128x128xf32>, vector<2000x128xf32> -> vector<2000x128xf32>
    %add3A_53 = arith.addf %add3A_47, %dot_general3A_52 : vector<2000x128xf32>
    %get3A_54 = arith.constant 0 : index
    %get3A_55 = arith.constant 0 : index
    %get3A_56 = vector.load %arg4[%get3A_54, %get3A_55] : memref<1x128xf32, #tpu.memory_space<vmem>>, vector<1x128xf32>
    %add3A_57 = vector.broadcast %get3A_56 : vector<1x128xf32> to vector<2000x128xf32>
    %add3A_58 = arith.addf %add3A_53, %add3A_57 : vector<2000x128xf32>
    %swap3A = arith.constant 0 : index
    %swap3A_59 = arith.constant 0 : index
    %swap3A_60 = vector.load %arg5[%swap3A, %swap3A_59] : memref<2000x128xf32, #tpu.memory_space<vmem>>, vector<2000x128xf32>
    tpu.vector_store %arg5[%swap3A, %swap3A_59], %add3A_58 {strides = array<i32>} : memref<2000x128xf32, #tpu.memory_space<vmem>>, vector<2000x128xf32>,
    return
  }
  func.func @transform_0(%arg0: i32) -> (i32, i32) {
    %c0_i32 = arith.constant 0 : i32
    %c0_i32_0 = arith.constant 0 : i32
    return %arg0, %c0_i32 : i32, i32
  }
  func.func @transform_1(%arg0: i32) -> (i32, i32, i32) {
    %c0_i32 = arith.constant 0 : i32
    %c0_i32_0 = arith.constant 0 : i32
    %c0_i32_1 = arith.constant 0 : i32
    return %c0_i32, %arg0, %c0_i32_0 : i32, i32, i32
  }
  func.func @transform_2(%arg0: i32) -> (i32, i32) {
    %c0_i32 = arith.constant 0 : i32
    %c0_i32_0 = arith.constant 0 : i32
    %c0_i32_1 = arith.constant 0 : i32
    return %c0_i32, %c0_i32_0 : i32, i32
  }
  func.func @transform_3(%arg0: i32) -> (i32, i32) {
    %c0_i32 = arith.constant 0 : i32
    %c0_i32_0 = arith.constant 0 : i32
    %c0_i32_1 = arith.constant 0 : i32
    return %c0_i32, %c0_i32_0 : i32, i32
  }
  func.func @transform_4(%arg0: i32) -> (i32, i32) {
    %c0_i32 = arith.constant 0 : i32
    %c0_i32_0 = arith.constant 0 : i32
    return %arg0, %c0_i32 : i32, i32
  }
}

</mosaic_0001>

<sc_bundles>
// kernel: kernel.4.cloned.1.call-start
scs
__scs_entry_jumppad:
0x0: {  	(pc) =	sbr.rel $0x88, $3  }
0x1: {  	(tag) =	ssettag $0x0;
	lr =	simm.s32 $0x1  }
0x2: {  	[smem:$0x3F9D] =	sst lr;
	_ =	strace $0xD0000000  }
0x3: {  	_ = 	snop  }
0x4: {  	_ = 	snop  }
0x5: {  	_ = 	snop  }
0x6: {  	_ = 	snop  }
0x7: {  	_ = 	snop  }
__scs_overlays_trampoline_lowered:
0x8: {  	[smem:$0x3FAC] =	sst s0  }
0x9: {  	[smem:$0x3FAD] =	sst s1  }
0xa: {  	[smem:$0x3FAE] =	sst s2  }
0xb: {  	[smem:$0x3FAF] =	sst s3  }
0xc: {  	[smem:$0x3FB0] =	sst s4  }
0xd: {  	[smem:$0x3FB1] =	sst s5  }
0xe: {  	[smem:$0x3FB2] =	sst s6  }
0xf: {  	[smem:$0x3FB3] =	sst s7  }
0x10: {  	[smem:$0x3FB4] =	sst s8  }
0x11: {  	[smem:$0x3FB5] =	sst s9;
	s0 =	simm.s32 @!p0 $0x0  }
0x12: {  	s1 =	sld [smem:$0x3F9B];
	s0 =	simm.s32 @p0 $0x1  }
0x13: {  	[smem:$0x3FB6] =	sst s0;
	s0 =	simm.s32 @!p1 $0x0  }
0x14: {  	s2 =	sld [smem:$0x3F9A];
	s0 =	simm.s32 @p1 $0x1  }
0x15: {  	[smem:$0x3FB7] =	sst s0;
	s0 =	simm.s32 @!p2 $0x0  }
0x16: {  	s3 =	sld [smem:$0x3FDB];
	s0 =	simm.s32 @p2 $0x1  }
0x17: {  	s4 =	simm.s32 $0x1BF5;
	[smem:$0x3FB9] =	sst s0  }
0x18: {  	s0 =	sld [smem:$0x3F9C];
	_ =	swait.ge [sflag:s4], $0x0  }
0x19: {  	s7 =	sld [smem:$0x3F9D]  }
0x1a: {  	s8 =	sadd.s32 $0xFFFFE003, lr  }
0x1b: {  	s9 =	sadd.s32 $0xFFFFFEF7, lr;
	s5 =	simm.s32 $0xFFFFFFFF;
	p2 =	slt.u32 s8, $0xFFFFF086  }
0x1c: {  	p1 =	slt.u32 s9, $0xF7A;
	s5 =	simm.s32 @!p2 $0x0  }
0x1d: {  	s5 =	simm.s32 @p1 $0x1;
	p0 =	seq.s32 s7, s2  }
0x1e: {  	s7 =	smul.u32 @!p0 $0xF7A, s2;
	p2 =	seq.s32 @!p0 s5, $0x0  }
0x1f: {  	s9 =	smul.u32 $0xF7A, s1;
	s8 =	simm.s32 @!p0 $0x1BF5;
	p2 =	por !p2, p0  }
0x20: {  	[sflag:s8] =	ssyncset.s32 @!p0 $0xFFFFF086;
	s6 =	sadd.s32 @!p0 s3, s7;
	s7 =	simm.s32 @!p0 $0x108  }
0x21: {  	s3 =	sadd.s32 s3, s9;
	s6 =	sadd.s32 @!p0 $0x88, s6;
	s7 =	simm.s32 @p2 $0x1082  }
0x22: {  	[simem:s7], [sflag:s8] =	dma.local @!p0 [hbm:s6], $0xF7A  }
0x23: {  	s9 =	sor.u32 $0xD0000000, s2;
	s6 =	simm.s32 $0x108;
	_ =	swait.ge @!p0 [sflag:s8], $0x0  }
0x24: {  	s3 =	sadd.s32 $0x88, s3;
	s6 =	simm.s32 @!p1 $0x1082;
	[sflag:s4] =	ssyncset.s32 $0xFFFFF086  }
0x25: {  	[simem:s6], [sflag:s4] =	dma.local [hbm:s3], $0xF7A  }
0x26: {  	[smem:$0x3F9D] =	sst s1;
	(tag) =	ssettag s2;
	_ =	strace s9  }
0x27: {  	s1 =	sld [smem:$0x3FAD]  }
0x28: {  	s2 =	sld [smem:$0x3FAE]  }
0x29: {  	s4 =	sld [smem:$0x3FB0]  }
0x2a: {  	p0 =	seq.s32 s5, $0x0;
	s5 =	sld [smem:$0x3FB1]  }
0x2b: {  	s6 =	sld [smem:$0x3FB2]  }
0x2c: {  	s7 =	sld [smem:$0x3FB3]  }
0x2d: {  	s3 =	simm.s32 $0x108;
	s8 =	sld [smem:$0x3FB4]  }
0x2e: {  	s3 =	simm.s32 @!p0 $0x1082;
	s9 =	sld [smem:$0x3FB5]  }
0x2f: {  	lr =	sadd.s32 s0, s3;
	s0 =	sld [smem:$0x3FAC]  }
0x30: {  	s3 =	sld [smem:$0x3FAF]  }
0x31: {  	[smem:$0x3FB8] =	sst s10  }
0x32: {  	s10 =	sld [smem:$0x3FB6];
	_ =	sdelay $0x3  }
0x33: {  	p0 =	seq.s32 s10, $0x1;
	s10 =	sld [smem:$0x3FB8];
	_ =	sdelay $0x3  }
0x34: {  	[smem:$0x3FB8] =	sst s10  }
0x35: {  	s10 =	sld [smem:$0x3FB7];
	_ =	sdelay $0x3  }
0x36: {  	p1 =	seq.s32 s10, $0x1;
	s10 =	sld [smem:$0x3FB8];
	_ =	sdelay $0x3  }
0x37: {  	[smem:$0x3FB8] =	sst s10  }
0x38: {  	s10 =	sld [smem:$0x3FB9]  }
0x39: {  	_ = 	snop;
	(pc) =	sbr.ind lr, $3  }
0x3a: {  	_ = 	snop  }
0x3b: {  	_ = 	snop  }
0x3c: {  	p2 =	seq.s32 s10, $0x1;
	s10 =	sld [smem:$0x3FB8]  }
0x3d: {  	_ =	shalt  }
0x3e: {  	_ =	shalt  }
0x3f: {  	_ =	shalt  }
0x40: {  	_ =	shalt  }
0x41: {  	_ =	shalt  }
0x42: {  	_ =	shalt  }
0x43: {  	_ =	shalt  }
0x44: {  	_ =	shalt  }
0x45: {  	_ =	shalt  }
0x46: {  	_ =	shalt  }
0x47: {  	_ =	shalt  }
0x48: {  	_ =	shalt  }
0x49: {  	_ =	shalt  }
0x4a: {  	_ =	shalt  }
0x4b: {  	_ =	shalt  }
0x4c: {  	_ =	shalt  }
0x4d: {  	_ =	shalt  }
0x4e: {  	_ =	shalt  }
0x4f: {  	_ =	shalt  }
0x50: {  	_ =	shalt  }
0x51: {  	_ =	shalt  }
0x52: {  	_ =	shalt  }
0x53: {  	_ =	shalt  }
0x54: {  	_ =	shalt  }
0x55: {  	_ =	shalt  }
0x56: {  	_ =	shalt  }
0x57: {  	_ =	shalt  }
0x58: {  	_ =	shalt  }
0x59: {  	_ =	shalt  }
0x5a: {  	_ =	shalt  }
0x5b: {  	_ =	shalt  }
0x5c: {  	_ =	shalt  }
0x5d: {  	_ =	shalt  }
0x5e: {  	_ =	shalt  }
0x5f: {  	_ =	shalt  }
0x60: {  	_ =	shalt  }
0x61: {  	_ =	shalt  }
0x62: {  	_ =	shalt  }
0x63: {  	_ =	shalt  }
0x64: {  	_ =	shalt  }
0x65: {  	_ =	shalt  }
0x66: {  	_ =	shalt  }
0x67: {  	_ =	shalt  }
0x68: {  	_ =	shalt  }
0x69: {  	_ =	shalt  }
0x6a: {  	_ =	shalt  }
0x6b: {  	_ =	shalt  }
0x6c: {  	_ =	shalt  }
0x6d: {  	_ =	shalt  }
0x6e: {  	_ =	shalt  }
0x6f: {  	_ =	shalt  }
0x70: {  	_ =	shalt  }
0x71: {  	_ =	shalt  }
0x72: {  	_ =	shalt  }
0x73: {  	_ =	shalt  }
0x74: {  	_ =	shalt  }
0x75: {  	_ =	shalt  }
0x76: {  	_ =	shalt  }
0x77: {  	_ =	shalt  }
0x78: {  	_ =	shalt  }
0x79: {  	_ =	shalt  }
0x7a: {  	_ =	shalt  }
0x7b: {  	_ =	shalt  }
0x7c: {  	_ =	shalt  }
0x7d: {  	_ =	shalt  }
0x7e: {  	_ =	shalt  }
0x7f: {  	_ =	shalt  }
0x80: {  	_ =	shalt  }
0x81: {  	_ =	shalt  }
0x82: {  	_ =	shalt  }
0x83: {  	_ =	shalt  }
0x84: {  	_ =	shalt  }
0x85: {  	_ =	shalt  }
0x86: {  	_ =	shalt  }
0x87: {  	_ =	shalt  }
.Lfunc_end0:
.L_simem_size_0:
called_computation_lowered:
.L_overlay_start_0:
0x88: {  	s2 =	sld [smem:$0x3FD9]  }
0x89: {  	s3 =	sld [smem:$0x3FFE];
	_ =	sdelay $0x1  }
0x8a: {  	s1 =	srdreg.scid  }
0x8b: {  	s0 =	sand.u32 $0x1, s1  }
0x8c: {  	s17 =	sshll.u32 s0, $0xA;
	s2 =	sadd.s32 s3, s2  }
0x8d: {  	s2 =	sadd.s32 s2, s17  }
0x8e: {  	[smem:$0x3FC4] =	sst s2  }
0x8f: {  	_ = 	snop  }
0x90: {  	s2 =	sld [smem:$0x3FC8]  }
0x91: {  	s18 =	sld [smem:$0x3FD0];
	(tm) =	ssettm $0x1  }
0x92: {  	s4 =	sld [smem:$0x3FFB];
	_ =	sdelay $0x3  }
0x93: {  	_ =	strace s4  }
0x94: {  	s4 =	sld [smem:$0x3FFC];
	_ =	sdelay $0x3  }
0x95: {  	_ =	strace s4  }
0x96: {  	s4 =	sld [smem:$0x3FFD];
	_ =	sdelay $0x3  }
0x97: {  	_ =	strace s4  }
0x98: {  	_ =	strace $0x8FFFFFFF  }
0x99: {  	s19 =	sld [smem:$0x3FDB];
	_ =	sdelay $0x1  }
0x9a: {  	s5 =	simm.s32 $_scs_section_size  }
0x9b: {  	s6 =	simm.s32 $_size__tile_overlayer_lowered;
	s7 =	simm.s32 $_tile_overlayer_lowered  }
0x9c: {  	s22 =	simm.s32 $0x1BFF;
	s21 =	sshll.u32 s7, $0x1;
	s4 =	sadd.s32 s5, s19  }
0x9d: {  	s8 =	simm.s32 $0x0;
	s20 =	sshll.u32 s6, $0x1;
	s6 =	sadd.s32 s21, s4  }
0x9e: {  	[timem:s8], [sflag:s22] =	dma.local [hbm:s6], s20  }
0x9f: {  	_ =	swait.ge [sflag:s22], s20  }
0xa0: {  	s5 =	ssub.s32 $0x0, s20;
	[sflag:s22] =	ssyncset.done $0x0  }
0xa1: {  	[sflag:s22] =	ssyncadd.s32 s5;
	_ =	sdelay $0x1  }
0xa2: {  	s23 =	simm.s32 $0x1B8B  }
0xa3: {  	_ =	swait.ge [sflag:s23], $0x1  }
0xa4: {  	[sflag:s23] =	ssyncset.done $0x0  }
0xa5: {  	s25 =	simm.s32 $0x1B8E;
	s24 =	sld [smem:$0x3FFE];
	[sflag:s23] =	ssyncadd.s32 $0xFFFFFFFF  }
0xa6: {  	s26 =	simm.s32 $execute0_lowered;
	[smem:$0x3FD2] =	sst s25  }
0xa7: {  	s6 =	sshll.u32 s26, $0x1;
	_ =	strace $0x80000046;
	[dreg:$0x1] =	wrdreg $0xFFFFFFFF  }
0xa8: {  	s28 =	simm.s32 $_size_execute0_lowered;
	s4 =	sadd.s32 s4, s6;
	[dreg:$0x0] =	wrdreg $0x0  }
0xa9: {  	s6 =	sshll.u32 s28, $0x1;
	[dreg:$0x2] =	wrdreg s4  }
0xaa: {  	[dreg:$0x3] =	wrdreg s6  }
0xab: {  	[dreg:$0x4] =	wrdreg $0xC0  }
0xac: {  	_ =	task [dreg:s8], $0x5FFFF  }
0xad: {  	[dreg:$0x1] =	wrdreg $0xFFFFFFFF  }
0xae: {  	[dreg:$0x0] =	wrdreg $0x60  }
0xaf: {  	[dreg:$0x2] =	wrdreg s2  }
0xb0: {  	[dreg:$0x3] =	wrdreg s18  }
0xb1: {  	[dreg:$0x4] =	wrdreg s24  }
0xb2: {  	[dreg:$0x5] =	wrdreg $0x9  }
0xb3: {  	_ =	task.clear_ibuf [dreg:s8], $0x6FFFF;
	_ =	strace $0x90000046  }
0xb4: {  	s29 =	simm.s32 $0x9;
	_ =	strace $0x80000048  }
0xb5: {  	_ =	swait.ge [sflag:s29], $0x1  }
0xb6: {  	[sflag:s29] =	ssyncadd.s32 $0xFFFFFFFF  }
0xb7: {  	_ =	strace $0x90000048  }
0xb8: {  	_ =	sfence  }
0xb9: {  	s30 =	sld [smem:$0x0];
	_ =	sdelay $0x2  }
0xba: {  	s31 =	sshll.u32 s1, $0xD;
	s1 =	sshrl.u32 s1, $0x2  }
0xbb: {  	s3 =	sand.u32 $0x4000, s31;
	s1 =	sadd.s32 s1, s30  }
0xbc: {  	s0 =	sor.u32 s3, s0;
	s1 =	sshll.u32 s1, $0x11  }
0xbd: {  	s0 =	sor.u32 s1, s0  }
0xbe: {  	s0 =	sadd.s32 $0x8F2B, s0  }
0xbf: {  	[sflag:s0] =	ssyncadd.remote.s32 $0x1  }
0xc0: {  	_ =	sfence.sel $0xFFFF  }
0xc1: {  	[dreg:$0x0] =	wrdreg $0xFFFFFFFF;
	(pc) =	sbr.abs _section_cstart, $3  }
0xc2: {  	[dreg:$0x1] =	wrdreg $0xFFFFFFFF  }
0xc3: {  	_ =	task.clear_ibuf [dreg:s8], $0x2FFFF;
	_ =	strace $0x9FFFFFFF  }
0xc4: {  	(tm) =	ssettm $0x7FFFFFFF  }
0xc5: {  	_ =	shalt  }
tec
execute0_lowered:
.L_overlay_start_1:
0x0: {  	(tag) =	ssettag $0x1  }
0x1: {  	s1 =	rddreg [dreg:$0x0]  }
0x2: {  	s0 =	rddreg [dreg:$0x1]  }
0x3: {  	s2 =	srdreg.scid;
	s3 =	stileid.u32  }
0x4: {  	s4 =	rddreg [dreg:$0x2];
	s8 =	simm.s32 $0x9;
	s9 =	simm.s32 $0x2800  }
0x5: {  	s10 =	simm.s32 $0x80;
	s11 =	simm.s32 $0x5000;
	s12 =	simm.s32 $0x9000  }
0x6: {  	s14 =	simm.s32 $0xD000;
	s15 =	simm.s32 $0x1;
	s17 =	simm.s32 $0x11000  }
0x7: {  	s18 =	simm.s32 $0x2;
	s19 =	simm.s32 $0x5;
	s22 =	simm.s32 $0x3  }
0x8: {  	s23 =	simm.s32 $0x6;
	s25 =	simm.s32 $0x280;
	s26 =	simm.s32 $0x4  }
0x9: {  	s28 =	simm.s32 $0x7;
	s29 =	simm.s32 $0x2980;
	s30 =	simm.s32 $0x300  }
0xa: {  	s2 =	sand.u32 $0x1, s2;
	s5 =	sshll.u32 s3, $0x1;
	s3 =	simm.s32 $0x0  }
.Ltmp0:
0xb: {  	s5 =	sor.u32 s2, s5;
	s2 =	ssub.s32 $0x2, s2;
	(pc) =	sbr.rel .LBB2_1-.Ltmp0, $4  }
0xc: {  	[smem:$0x7FF] =	sst s3;
	s5 =	smul.u32 $0x500, s5;
	s6 =	sshrl.u32 s2, $0x1  }
0xd: {  	s31 =	simm.s32 $0x8;
	_ =	strace $0x80000047;
	s2 =	ssub.s32 s2, s6  }
0xe: {  	s7 =	sadd.s32 s5, s4;
	s4 =	sadd.s32 $0xBC00, s4;
	s5 =	sadd.s32 s0, s5  }
0xf: {  	s6 =	sadd.s32 $0x1C00, s7;
	s7 =	smax.u32 s2, $0x1;
	s2 =	simm.s32 $0x0  }
.LBB2_4:
0x10: {  	s2 =	sadd.s32 $0x1, s2  }
0x11: {  	p0 =	sne.s32 s2, s7  }
.Ltmp1:
0x12: {  	_ = 	snop;
	(pc) =	sbr.rel @!p0 .LBB2_5-.Ltmp1, $4  }
0x13: {  	_ = 	snop  }
0x14: {  	_ =	swait.ge [sflag:s31], $0x4000  }
0x15: {  	[sflag:s31] =	ssyncset.done $0x0  }
0x16: {  	[sflag:s31] =	ssyncadd.s32 $0xFFFFC000  }
.LBB2_1:
0x17: {  	[tilespmem:s3], [sflag:$0x9] =	stream.linear.gather [hbm4b:s5+s3], $0x2600, $0x38;
	[tilespmem:$0x15000] =	vst v63  }
0x18: {  	_ =	swait.ge [sflag:s8], $0x2600  }
0x19: {  	[sflag:s8] =	ssyncset.done $0x0  }
0x1a: {  	[sflag:s8] =	ssyncadd.s32 $0xFFFFDA00  }
0x1b: {  	[tilespmem:s9], [sflag:$0x9] =	stream.linear.gather [hbm4b:s6+s3], $0x2600, $0x38;
	[tilespmem:$0x15000] =	vst v63  }
0x1c: {  	_ =	swait.ge [sflag:s8], $0x2600  }
0x1d: {  	[sflag:s8] =	ssyncset.done $0x0  }
0x1e: {  	[sflag:s8] =	ssyncadd.s32 $0xFFFFDA00  }
0x1f: {  	[tilespmem:s11], [sflag:$0x1] =	stream.indirect.gather [hbm4b:s1+s10], $0x80, s3, s10, $0xb8;
	[tilespmem:$0x15000] =	vst v63  }
0x20: {  	_ = 	snop  }
0x21: {  	[tilespmem:s12], [sflag:$0x2] =	stream.indirect.gather [hbm4b:s1+s10], $0x80, s10, s10, $0xb8;
	[tilespmem:$0x15000] =	vst v63  }
0x22: {  	s0 =	simm.s32 $0x100  }
0x23: {  	[tilespmem:s14], [sflag:$0x3] =	stream.indirect.gather [hbm4b:s1+s10], $0x80, s0, s10, $0xb8;
	[tilespmem:$0x15000] =	vst v63  }
0x24: {  	_ =	swait.ge [sflag:s15], $0x4000  }
0x25: {  	[sflag:s15] =	ssyncset.done $0x0  }
0x26: {  	[sflag:s15] =	ssyncadd.s32 $0xFFFFC000  }
0x27: {  	[hbm4b:s4+s10] =	stream.indirect.scatter [tilespmem:s11], [sflag:$0x5], $0x80, s9, s10, $0xb8;
	[tilespmem:$0x15000] =	vst v63  }
0x28: {  	s16 =	simm.s32 $0x180  }
0x29: {  	[tilespmem:s17], [sflag:$0x4] =	stream.indirect.gather [hbm4b:s1+s10], $0x80, s16, s10, $0xb8;
	[tilespmem:$0x15000] =	vst v63  }
0x2a: {  	_ =	swait.ge [sflag:s18], $0x4000  }
0x2b: {  	[sflag:s18] =	ssyncset.done $0x0  }
0x2c: {  	[sflag:s18] =	ssyncadd.s32 $0xFFFFC000  }
0x2d: {  	_ =	swait.ge [sflag:s19], $0x4000  }
0x2e: {  	[sflag:s19] =	ssyncset.done $0x0  }
0x2f: {  	s20 =	simm.s32 $0x2880;
	[sflag:s19] =	ssyncadd.s32 $0xFFFFC000  }
0x30: {  	[hbm4b:s4+s10] =	stream.indirect.scatter [tilespmem:s12], [sflag:$0x6], $0x80, s20, s10, $0xb8;
	[tilespmem:$0x15000] =	vst v63  }
0x31: {  	s21 =	simm.s32 $0x200  }
0x32: {  	[tilespmem:s11], [sflag:$0x1] =	stream.indirect.gather [hbm4b:s1+s10], $0x80, s21, s10, $0xb8;
	[tilespmem:$0x15000] =	vst v63  }
0x33: {  	_ =	swait.ge [sflag:s22], $0x4000  }
0x34: {  	[sflag:s22] =	ssyncset.done $0x0  }
0x35: {  	[sflag:s22] =	ssyncadd.s32 $0xFFFFC000  }
0x36: {  	_ =	swait.ge [sflag:s23], $0x4000  }
0x37: {  	[sflag:s23] =	ssyncset.done $0x0  }
0x38: {  	s24 =	simm.s32 $0x2900;
	[sflag:s23] =	ssyncadd.s32 $0xFFFFC000  }
0x39: {  	[hbm4b:s4+s10] =	stream.indirect.scatter [tilespmem:s14], [sflag:$0x7], $0x80, s24, s10, $0xb8;
	[tilespmem:$0x15000] =	vst v63  }
0x3a: {  	_ = 	snop  }
0x3b: {  	[tilespmem:s12], [sflag:$0x2] =	stream.indirect.gather [hbm4b:s1+s10], $0x80, s25, s10, $0xb8;
	[tilespmem:$0x15000] =	vst v63  }
0x3c: {  	_ =	swait.ge [sflag:s26], $0x4000  }
0x3d: {  	[sflag:s26] =	ssyncset.done $0x0  }
0x3e: {  	[sflag:s26] =	ssyncadd.s32 $0xFFFFC000  }
0x3f: {  	_ =	swait.ge [sflag:s28], $0x4000  }
0x40: {  	[sflag:s28] =	ssyncset.done $0x0  }
0x41: {  	[sflag:s28] =	ssyncadd.s32 $0xFFFFC000  }
0x42: {  	[hbm4b:s4+s10] =	stream.indirect.scatter [tilespmem:s17], [sflag:$0x8], $0x80, s29, s10, $0xb8;
	[tilespmem:$0x15000] =	vst v63  }
0x43: {  	s0 =	simm.s32 $0x0  }
0x44: {  	[tilespmem:s14], [sflag:$0x3] =	stream.indirect.gather [hbm4b:s1+s10], $0x80, s30, s10, $0xb8;
	[tilespmem:$0x15000] =	vst v63  }
.LBB2_2:
0x45: {  	_ =	swait.ge [sflag:s15], $0x4000  }
0x46: {  	[sflag:s15] =	ssyncset.done $0x0  }
0x47: {  	[sflag:s15] =	ssyncadd.s32 $0xFFFFC000  }
0x48: {  	_ =	swait.ge [sflag:s31], $0x4000  }
0x49: {  	s13 =	sshra.s32 s0, $0x2;
	[sflag:s31] =	ssyncset.done $0x0  }
0x4a: {  	s16 =	sadd.s32 $0x2A00, s13;
	[sflag:s31] =	ssyncadd.s32 $0xFFFFC000  }
0x4b: {  	[hbm4b:s4+s10] =	stream.indirect.scatter [tilespmem:s11], [sflag:$0x5], $0x80, s16, s10, $0xb8;
	[tilespmem:$0x15000] =	vst v63  }
0x4c: {  	s20 =	sadd.s32 $0x380, s13  }
0x4d: {  	[tilespmem:s17], [sflag:$0x4] =	stream.indirect.gather [hbm4b:s1+s10], $0x80, s20, s10, $0xb8;
	[tilespmem:$0x15000] =	vst v63  }
0x4e: {  	_ =	swait.ge [sflag:s18], $0x4000  }
0x4f: {  	[sflag:s18] =	ssyncset.done $0x0  }
0x50: {  	[sflag:s18] =	ssyncadd.s32 $0xFFFFC000  }
0x51: {  	_ =	swait.ge [sflag:s19], $0x4000  }
0x52: {  	p0 =	seq.s32 s0, $0x8800;
	[sflag:s19] =	ssyncset.done $0x0  }
0x53: {  	s21 =	sadd.s32 $0x2A80, s13;
	s16 =	simm.s32 @p0 $0x3;
	[sflag:s19] =	ssyncadd.s32 $0xFFFFC000  }
0x54: {  	[hbm4b:s4+s10] =	stream.indirect.scatter [tilespmem:s12], [sflag:$0x6], $0x80, s21, s10, $0xb8;
	[tilespmem:$0x15000] =	vst v63  }
0x55: {  	_ =	swait.ge @p0 [sflag:s16], $0x4000  }
0x56: {  	[sflag:s16] =	ssyncset.done @p0 $0x0  }
0x57: {  	[sflag:s16] =	ssyncadd.s32 @p0 $0xFFFFC000;
	s16 =	simm.s32 @p0 $0x6  }
0x58: {  	_ =	swait.ge @p0 [sflag:s16], $0x4000  }
0x59: {  	[sflag:s16] =	ssyncset.done @p0 $0x0  }
0x5a: {  	[sflag:s16] =	ssyncadd.s32 @p0 $0xFFFFC000;
	s16 =	sshra.s32 @p0 s0, $0x2  }
0x5b: {  	s20 =	simm.s32 @p0 $0x80;
	s21 =	simm.s32 @p0 $0xD000;
	s16 =	sadd.s32 @p0 $0x2B00, s16  }
0x5c: {  	[hbm4b:s4+s20] =	stream.indirect.scatter @p0 [tilespmem:s21], [sflag:$0x7], $0x80, s16, s20, $0xb8;
	[tilespmem:$0x15000] =	vst v63  }
0x5d: {  	s16 =	sshra.s32 @!p0 s0, $0x2  }
0x5e: {  	s24 =	simm.s32 @!p0 $0x5000;
	s21 =	simm.s32 @!p0 $0x80;
	s20 =	sadd.s32 @!p0 $0x400, s16  }
0x5f: {  	[tilespmem:s24], [sflag:$0x1] =	stream.indirect.gather @!p0 [hbm4b:s1+s21], $0x80, s20, s21, $0xb8;
	[tilespmem:$0x15000] =	vst v63  }
0x60: {  	s20 =	simm.s32 @!p0 $0x3  }
0x61: {  	_ =	swait.ge @!p0 [sflag:s20], $0x4000  }
0x62: {  	[sflag:s20] =	ssyncset.done @!p0 $0x0  }
0x63: {  	[sflag:s20] =	ssyncadd.s32 @!p0 $0xFFFFC000;
	s20 =	simm.s32 @!p0 $0x6  }
0x64: {  	_ =	swait.ge @!p0 [sflag:s20], $0x4000  }
0x65: {  	[sflag:s20] =	ssyncset.done @!p0 $0x0  }
0x66: {  	s24 =	simm.s32 @!p0 $0xD000;
	[sflag:s20] =	ssyncadd.s32 @!p0 $0xFFFFC000;
	s20 =	sadd.s32 @!p0 $0x2B00, s16  }
0x67: {  	[hbm4b:s4+s21] =	stream.indirect.scatter @!p0 [tilespmem:s24], [sflag:$0x7], $0x80, s20, s21, $0xb8;
	[tilespmem:$0x15000] =	vst v63  }
0x68: {  	s16 =	sadd.s32 @!p0 $0x480, s16;
	s20 =	simm.s32 @!p0 $0x9000  }
0x69: {  	[tilespmem:s20], [sflag:$0x2] =	stream.indirect.gather @!p0 [hbm4b:s1+s21], $0x80, s16, s21, $0xb8;
	[tilespmem:$0x15000] =	vst v63  }
0x6a: {  	_ =	swait.ge [sflag:s26], $0x4000  }
0x6b: {  	[sflag:s26] =	ssyncset.done $0x0  }
.Ltmp2:
0x6c: {  	[sflag:s26] =	ssyncadd.s32 $0xFFFFC000;
	(pc) =	sbr.rel @p0 .LBB2_4-.Ltmp2, $4  }
0x6d: {  	_ =	swait.ge [sflag:s28], $0x4000  }
0x6e: {  	[sflag:s28] =	ssyncset.done $0x0  }
0x6f: {  	s24 =	sadd.s32 $0x2B80, s13;
	[sflag:s28] =	ssyncadd.s32 $0xFFFFC000  }
0x70: {  	[hbm4b:s4+s10] =	stream.indirect.scatter [tilespmem:s17], [sflag:$0x8], $0x80, s24, s10, $0xb8;
	[tilespmem:$0x15000] =	vst v63  }
.Ltmp3:
0x71: {  	(pc) =	sbr.rel .LBB2_2-.Ltmp3, $3  }
0x72: {  	_ =	sdelay $0x1  }
0x73: {  	s13 =	sadd.s32 $0x500, s13;
	s0 =	sadd.s32 $0x800, s0  }
0x74: {  	[tilespmem:s14], [sflag:$0x3] =	stream.indirect.gather [hbm4b:s1+s10], $0x80, s13, s10, $0xb8;
	[tilespmem:$0x15000] =	vst v63  }
.LBB2_5:
0x75: {  	_ =	sfence.sel $0x180000  }
0x76: {  	[bflag:$0x0] =	sbarrier.arrive $0xFFFF  }
0x77: {  	_ =	strace $0x90000047  }
0x78: {  	s0 =	stileid.u32;
	[bflag:$0x2] =	sbarrier.arrive $0xFFFF  }
0x79: {  	p0 =	sne.s32 s0, $0x0;
	s0 =	rddreg [dreg:$0x3]  }
0x7a: {  	s0 =	sadd.s32 @!p0 $0x100000, s0  }
0x7b: {  	[sflag:s0] =	ssyncadd.tile.s32 @!p0 $0x1;
	_ =	shalt  }
.Lfunc_end2:
_tile_overlayer_lowered:
.L_overlay_start_2:
0x7c: {  	(tag) =	ssettag $0x2  }
0x7d: {  	s0 =	rddreg [dreg:$0x0];
	s2 =	stileid.u32  }
0x7e: {  	s1 =	rddreg [dreg:$0x1];
	p0 =	sne.s32 s2, $0x0  }
0x7f: {  	s3 =	rddreg [dreg:$0x2];
	[bflag:$0x3] =	sbarrier.arrive $0xFFFF;
	s2 =	simm.s32 @!p0 $0x1C09  }
0x80: {  	[timem:s3], [sflag:s2] =	dma.local @!p0 [hbm:s0], s1  }
0x81: {  	s0 =	simm.s32 @!p0 $0x9  }
0x82: {  	_ =	swait.ge @!p0 [sflag:s0], s1  }
0x83: {  	s1 =	ssub.s32 @!p0 $0x0, s1;
	[sflag:s0] =	ssyncset.done @!p0 $0x0  }
0x84: {  	[sflag:s0] =	ssyncadd.s32 @!p0 s1  }
0x85: {  	[bflag:$0x3] =	sbarrier.arrive $0xFFFF  }
0x86: {  	_ =	shalt  }

</sc_bundles>
